<compile_context>
chip_gen: v7x
topology: tpu7x:2x2x1
jax: 0.10.2.dev20260603
libtpu: 0.0.44.dev20260713+nightly
codegen_flags: <defaults>
</compile_context>

<pallas_src>
import functools

import numpy as np

import jax
import jax.numpy as jnp
from jax import lax
from jax.experimental import pallas as pl
from jax.experimental.pallas import tpu as pltpu
from jax.experimental.pallas import tpu_sc as plsc

F32 = jnp.float32
BF16 = jnp.bfloat16

SC_CORES = 2
SC_SUBCORES = 16
SC_WORKERS = SC_CORES * SC_SUBCORES

TW = 256
GW = 128
SC_CHUNK = 128
NPAD = 10240
BN = 400
BE = 512


def _silu(x):
    return x / (1.0 + jnp.exp(-x))



_HI = np.uint32(0xFFFF0000)
_RND = np.uint32(0x8000)


def _pack_hi(x):
    return (lax.bitcast_convert_type(x, jnp.uint32) + _RND) & _HI


def _k1_body(h_ref, cpad_ref, w1s_ref, w1d_ref, be1_ref, tsrc_ref, tdst_ref):
    hb = h_ref[...]
    lo = (lax.bitcast_convert_type(cpad_ref[...], jnp.uint32) + _RND) >> 16
    a_s = jnp.dot(hb, w1s_ref[...], preferred_element_type=F32) + be1_ref[...]
    a_d = jnp.dot(hb, w1d_ref[...], preferred_element_type=F32)
    tsrc_ref[...] = lax.bitcast_convert_type(_pack_hi(a_s) | lo, F32)
    tdst_ref[...] = lax.bitcast_convert_type(_pack_hi(a_d) | lo, F32)


def _build_tables(h, coord_pad, w1s, w1d, be1):
    n, d = h.shape
    return pl.pallas_call(
        _k1_body,
        grid=(n // BN,),
        in_specs=[
            pl.BlockSpec((BN, d), lambda i: (i, 0)),
            pl.BlockSpec((BN, 128), lambda i: (i, 0)),
            pl.BlockSpec((d, 128), lambda i: (0, 0)),
            pl.BlockSpec((d, 128), lambda i: (0, 0)),
            pl.BlockSpec((1, 128), lambda i: (0, 0)),
        ],
        out_specs=[
            pl.BlockSpec((BN, 128), lambda i: (i, 0)),
            pl.BlockSpec((BN, 128), lambda i: (i, 0)),
        ],
        out_shape=[
            jax.ShapeDtypeStruct((n, 128), F32),
            jax.ShapeDtypeStruct((n, 128), F32),
        ],
    )(h, coord_pad, w1s, w1d, be1)



def _sc_gather(table, idx2d, e):
    mesh = plsc.VectorSubcoreMesh(
        core_axis_name="c", subcore_axis_name="s",
        num_cores=SC_CORES, num_subcores=SC_SUBCORES)

    @functools.partial(
        pl.kernel,
        out_type=(jax.ShapeDtypeStruct((e, 128), F32),
                  jax.ShapeDtypeStruct((e, 128), F32)),
        mesh=mesh)
    def gk(tsrc_hbm, tdst_hbm, row_hbm, col_hbm, gs_hbm, gd_hbm):
        def body(ri_vmem, ci_vmem, gs_vmem, gd_vmem):
            pltpu.sync_copy(tsrc_hbm.at[ri_vmem.at[0]], gs_vmem)
            pltpu.sync_copy(tdst_hbm.at[ci_vmem.at[0]], gd_vmem)

        pltpu.emit_pipeline(
            body,
            grid=(e // GW,),
            in_specs=[pl.BlockSpec((1, GW), lambda i: (0, i)),
                      pl.BlockSpec((1, GW), lambda i: (0, i))],
            out_specs=[pl.BlockSpec((GW, 128), lambda i: (i, 0)),
                       pl.BlockSpec((GW, 128), lambda i: (i, 0))],
            core_axis_name=("c", "s"),
            dimension_semantics=(pltpu.PARALLEL,),
        )(row_hbm, col_hbm, gs_hbm, gd_hbm)

    return gk(*table, *idx2d)



def _k3_body(gs_ref, gd_ref, ea_ref, wea_ref, wr_ref,
             we2_ref, be2_ref, wc1_ref, bc1_ref, wc2t_ref, ef_ref, aux_ref):
    w_s = lax.bitcast_convert_type(gs_ref[...], jnp.uint32)
    w_d = lax.bitcast_convert_type(gd_ref[...], jnp.uint32)
    a = (lax.bitcast_convert_type(w_s & _HI, F32)
         + lax.bitcast_convert_type(w_d & _HI, F32))
    cs = lax.bitcast_convert_type(w_s << 16, F32)
    cdd = lax.bitcast_convert_type(w_d << 16, F32)
    cd = cs[:, 0:3] - cdd[:, 0:3]
    radial = jnp.sum(cd * cd, axis=1, keepdims=True)
    pre = a + radial * wr_ref[...] + jnp.dot(
        ea_ref[...].astype(BF16), wea_ref[...], preferred_element_type=F32)
    m = _silu(pre)
    ef = _silu(jnp.dot(m.astype(BF16), we2_ref[...],
                       preferred_element_type=F32) + be2_ref[...])
    c = _silu(jnp.dot(ef.astype(BF16), wc1_ref[...],
                      preferred_element_type=F32) + bc1_ref[...])
    s = jnp.sum(c * wc2t_ref[...], axis=1, keepdims=True)
    trans = cd * s
    ef_ref[...] = ef
    aux_ref[:, 0:3] = trans
    aux_ref[:, 3:4] = jnp.ones((trans.shape[0], 1), F32)
    aux_ref[:, 4:128] = jnp.zeros((trans.shape[0], 124), F32)


def _edge_compute(gs, gd, edge_attr, wea, wr, we2, be2, wc1, bc1, wc2t):
    e = edge_attr.shape[0]
    return pl.pallas_call(
        _k3_body,
        grid=(e // BE,),
        in_specs=[
            pl.BlockSpec((BE, 128), lambda i: (i, 0)),
            pl.BlockSpec((BE, 128), lambda i: (i, 0)),
            pl.BlockSpec((BE, 16), lambda i: (i, 0)),
            pl.BlockSpec((16, 128), lambda i: (0, 0)),
            pl.BlockSpec((1, 128), lambda i: (0, 0)),
            pl.BlockSpec((128, 128), lambda i: (0, 0)),
            pl.BlockSpec((1, 128), lambda i: (0, 0)),
            pl.BlockSpec((128, 128), lambda i: (0, 0)),
            pl.BlockSpec((1, 128), lambda i: (0, 0)),
            pl.BlockSpec((1, 128), lambda i: (0, 0)),
        ],
        out_specs=[
            pl.BlockSpec((BE, 128), lambda i: (i, 0)),
            pl.BlockSpec((BE, 128), lambda i: (i, 0)),
        ],
        out_shape=[
            jax.ShapeDtypeStruct((e, 128), F32),
            jax.ShapeDtypeStruct((e, 128), F32),
        ],
    )(gs, gd, edge_attr, wea, wr, we2, be2, wc1, bc1, wc2t)



def _sc_scatter(rowp, ef, aux, z128, npad, e, epad):
    mesh = plsc.VectorSubcoreMesh(
        core_axis_name="c", subcore_axis_name="s",
        num_cores=SC_CORES, num_subcores=SC_SUBCORES)
    chunks_per_w = epad // SC_CHUNK // SC_WORKERS
    data_chunks = e // SC_CHUNK
    n_per_sub = npad // SC_SUBCORES

    @functools.partial(
        pl.kernel,
        out_type=(jax.ShapeDtypeStruct((SC_CORES * npad, 128), F32),
                  jax.ShapeDtypeStruct((SC_CORES * npad, 128), F32)),
        mesh=mesh,
        scratch_types=[
            pltpu.VMEM((SC_CHUNK,), jnp.int32),
            pltpu.VMEM((SC_CHUNK, 128), F32),
            pltpu.VMEM_SHARED((npad, 128), F32),
        ])
    def sk(row_hbm, ef_hbm, aux_hbm, z128_hbm, oagg_hbm, oaux_hbm,
           idx_v, buf_v, sh):
        c = lax.axis_index("c")
        s = lax.axis_index("s")
        wid = c * SC_SUBCORES + s
        nb = pl.multiple_of(s * n_per_sub, 8)
        n_steps = n_per_sub // SC_CHUNK

        def phase(data_hbm, out_hbm):
            pltpu.sync_copy(z128_hbm, buf_v)

            @pl.loop(0, n_steps)
            def _(j):
                o = pl.multiple_of(nb + j * SC_CHUNK, 8)
                pltpu.sync_copy(buf_v, sh.at[pl.ds(o, SC_CHUNK)])

            plsc.subcore_barrier()

            @pl.loop(0, chunks_per_w)
            def _(j):
                ch = wid * chunks_per_w + j
                off_i = pl.multiple_of(ch * SC_CHUNK, SC_CHUNK)
                off_d = pl.multiple_of(
                    jnp.where(ch < data_chunks, ch, 0) * SC_CHUNK, SC_CHUNK)
                pltpu.sync_copy(row_hbm.at[pl.ds(off_i, SC_CHUNK)], idx_v)
                pltpu.sync_copy(data_hbm.at[pl.ds(off_d, SC_CHUNK)], buf_v)
                pltpu.sync_copy(buf_v, sh.at[idx_v], add=True)

            plsc.subcore_barrier()

            @pl.loop(0, n_steps)
            def _(j):
                o = pl.multiple_of(nb + j * SC_CHUNK, 8)
                oo = pl.multiple_of(c * npad + o, 8)
                pltpu.sync_copy(sh.at[pl.ds(o, SC_CHUNK)], buf_v)
                pltpu.sync_copy(buf_v, out_hbm.at[pl.ds(oo, SC_CHUNK)])

        phase(ef_hbm, oagg_hbm)
        phase(aux_hbm, oaux_hbm)

    return sk(rowp, ef, aux, z128)



def _k5_body(h_ref, cpad_ref, agg0_ref, agg1_ref, aux0_ref, aux1_ref,
             wn1a_ref, wn1b_ref, bn1_ref, wn2_ref, bn2_ref,
             hout_ref, cout_ref):
    agg = agg0_ref[0] + agg1_ref[0]
    aux = aux0_ref[0] + aux1_ref[0]
    seg = aux[:, 0:3]
    cnt = aux[:, 3:4]
    cout_ref[...] = cpad_ref[...][:, 0:3] + seg / jnp.maximum(cnt, 1.0)
    hb = h_ref[...]
    t = _silu(jnp.dot(hb, wn1a_ref[...], preferred_element_type=F32)
              + jnp.dot(agg, wn1b_ref[...], preferred_element_type=F32)
              + bn1_ref[...])
    hout_ref[...] = hb + jnp.dot(t, wn2_ref[...], preferred_element_type=F32) \
        + bn2_ref[...]


def _node_update(h, coord_pad, aggp, auxp, wn1a, wn1b, bn1, wn2, bn2):
    n, d = h.shape
    return pl.pallas_call(
        _k5_body,
        grid=(n // BN,),
        in_specs=[
            pl.BlockSpec((BN, d), lambda i: (i, 0)),
            pl.BlockSpec((BN, 128), lambda i: (i, 0)),
            pl.BlockSpec((1, BN, 128), lambda i: (0, i, 0)),
            pl.BlockSpec((1, BN, 128), lambda i: (1, i, 0)),
            pl.BlockSpec((1, BN, 128), lambda i: (0, i, 0)),
            pl.BlockSpec((1, BN, 128), lambda i: (1, i, 0)),
            pl.BlockSpec((d, 128), lambda i: (0, 0)),
            pl.BlockSpec((128, 128), lambda i: (0, 0)),
            pl.BlockSpec((1, 128), lambda i: (0, 0)),
            pl.BlockSpec((128, d), lambda i: (0, 0)),
            pl.BlockSpec((1, d), lambda i: (0, 0)),
        ],
        out_specs=[
            pl.BlockSpec((BN, d), lambda i: (i, 0)),
            pl.BlockSpec((BN, 3), lambda i: (i, 0)),
        ],
        out_shape=[
            jax.ShapeDtypeStruct((n, d), F32),
            jax.ShapeDtypeStruct((n, 3), F32),
        ],
    )(h, coord_pad, aggp, aggp, auxp, auxp, wn1a, wn1b, bn1, wn2, bn2)


def kernel(h, edge_index, coord, edge_attr,
           W_e1, b_e1, W_e2, b_e2,
           W_n1, b_n1, W_n2, b_n2,
           W_c1, b_c1, W_c2):
    n, d = h.shape
    e = edge_index.shape[1]
    row = edge_index[0]
    col = edge_index[1]

    coord_pad = jnp.pad(coord, ((0, 0), (0, 125)))
    w1s = W_e1[:d]
    w1d = W_e1[d:2 * d]
    wr = W_e1[2 * d:2 * d + 1]
    wea = W_e1[2 * d + 1:]
    be1 = b_e1.reshape(1, -1)
    be2 = b_e2.reshape(1, -1)
    bc1 = b_c1.reshape(1, -1)
    bn1 = b_n1.reshape(1, -1)
    bn2 = b_n2.reshape(1, -1)
    wc2t = W_c2.reshape(1, -1)
    wn1a = W_n1[:d]
    wn1b = W_n1[d:]

    tsrc, tdst = _build_tables(h, coord_pad, w1s, w1d, be1)
    epad = -(-e // (GW * SC_WORKERS)) * (GW * SC_WORKERS)
    rowp = jnp.pad(row, (0, epad - e)).reshape(1, epad)
    colp = jnp.pad(col, (0, epad - e)).reshape(1, epad)
    gs, gd = _sc_gather((tsrc, tdst), (rowp, colp), epad)
    ef, aux = _edge_compute(gs, gd, edge_attr, wea.astype(BF16), wr,
                            we2=W_e2.astype(BF16), be2=be2,
                            wc1=W_c1.astype(BF16), bc1=bc1, wc2t=wc2t)
    z128 = jnp.zeros((SC_CHUNK, 128), F32)
    row_scat = jnp.concatenate([row, jnp.full((epad - e,), n, jnp.int32)])
    aggp, auxp = _sc_scatter(row_scat, ef, aux, z128, NPAD, e, epad)
    aggp = aggp.reshape(SC_CORES, NPAD, 128)
    auxp = auxp.reshape(SC_CORES, NPAD, 128)
    h_out, coord_out = _node_update(h, coord_pad, aggp, auxp,
                                    wn1a, wn1b, bn1, W_n2, bn2)
    return (h_out, coord_out, edge_attr, ef)

# --- scband reference (transcript-rebuilt; emitter-appended) ---
"""Pipeline reference for scband-e-gcl-41669772706126 (READ-ONLY COPY).

The authoritative reference and input builder live on the scoring server;
editing this copy changes nothing except your own understanding.
"""

import jax, jax.numpy as jnp
import numpy as np

N = 10000
E = 320000
D = 128
H = 128
DE = 16


def _lin_init(key, fan_in, fan_out, gain=1.0):
    lim = gain * float(np.sqrt(6.0 / (fan_in + fan_out)))
    return jax.random.uniform(key, (fan_in, fan_out), dtype=jnp.float32, minval=-lim, maxval=lim)


def setup_inputs(seed: int = 0) -> dict:
    key = jax.random.key(seed)
    ks = jax.random.split(key, 16)
    h = jax.random.normal(ks[0], (N, D), dtype=jnp.float32)
    edge_index = jax.random.randint(ks[1], (2, E), 0, N, dtype=jnp.int32)
    coord = jax.random.normal(ks[2], (N, 3), dtype=jnp.float32)
    edge_attr = jax.random.normal(ks[3], (E, DE), dtype=jnp.float32)
    in_edge = 2 * D + 1 + DE  # source, target, radial, edge_attr
    W_e1 = _lin_init(ks[4], in_edge, H)
    b_e1 = jnp.zeros((H,), dtype=jnp.float32)
    W_e2 = _lin_init(ks[5], H, H)
    b_e2 = jnp.zeros((H,), dtype=jnp.float32)
    W_n1 = _lin_init(ks[6], H + D, H)
    b_n1 = jnp.zeros((H,), dtype=jnp.float32)
    W_n2 = _lin_init(ks[7], H, D)
    b_n2 = jnp.zeros((D,), dtype=jnp.float32)
    W_c1 = _lin_init(ks[8], H, H)
    b_c1 = jnp.zeros((H,), dtype=jnp.float32)
    W_c2 = _lin_init(ks[9], H, 1, gain=0.001)  # xavier_uniform with gain=0.001, no bias
    return {
        "h": h, "edge_index": edge_index, "coord": coord, "edge_attr": edge_attr,
        "W_e1": W_e1, "b_e1": b_e1, "W_e2": W_e2, "b_e2": b_e2,
        "W_n1": W_n1, "b_n1": b_n1, "W_n2": W_n2, "b_n2": b_n2,
        "W_c1": W_c1, "b_c1": b_c1, "W_c2": W_c2,
    }


def reference(h, edge_index, coord, edge_attr,
              W_e1, b_e1, W_e2, b_e2,
              W_n1, b_n1, W_n2, b_n2,
              W_c1, b_c1, W_c2):
    n = h.shape[0]
    row = edge_index[0]
    col = edge_index[1]
    # coord2radial (normalize=False)
    coord_diff = coord[row] - coord[col]
    radial = jnp.sum(coord_diff ** 2, axis=1, keepdims=True)
    # edge_model: cat([source, target, radial, edge_attr]) -> MLP (SiLU)
    inp = jnp.concatenate([h[row], h[col], radial, edge_attr], axis=1)
    m = jax.nn.silu(inp @ W_e1 + b_e1)
    edge_feat = jax.nn.silu(m @ W_e2 + b_e2)
    # coord_model (coords_agg='mean', tanh=False)
    c = jax.nn.silu(edge_feat @ W_c1 + b_c1)
    trans = coord_diff * (c @ W_c2)
    seg_sum = jnp.zeros((n, 3), dtype=trans.dtype).at[row].add(trans)
    seg_cnt = jnp.zeros((n, 1), dtype=trans.dtype).at[row].add(jnp.ones((trans.shape[0], 1), dtype=trans.dtype))
    agg_c = seg_sum / jnp.clip(seg_cnt, 1.0)
    coord_out = coord + agg_c
    # node_model (no edge_attention): unsorted_segment_sum over row
    agg = jnp.zeros((n, edge_feat.shape[1]), dtype=edge_feat.dtype).at[row].add(edge_feat)
    nin = jnp.concatenate([h, agg], axis=1)
    out = jax.nn.silu(nin @ W_n1 + b_n1) @ W_n2 + b_n2
    h_out = h + out  # residual=True
    return (h_out, coord_out, edge_attr, edge_feat)

if __name__ == "__main__":
    import jax
    _d = setup_inputs()
    print(jax.jit(kernel)(*tuple(_d.values())))

</pallas_src>

<mosaic_0001>
#map = affine_map<(d0, d1) -> (0, 0)>
module attributes {stable_mosaic.version = 14 : i64} {
  func.func @gk(%arg0: i32, %arg1: i32, %arg2: memref<10000x128xf32, #tpu.memory_space<hbm>>, %arg3: memref<10000x128xf32, #tpu.memory_space<hbm>>, %arg4: memref<1x323584xi32, #tpu.memory_space<hbm>>, %arg5: memref<1x323584xi32, #tpu.memory_space<hbm>>, %arg6: memref<323584x128xf32, #tpu.memory_space<hbm>>, %arg7: memref<323584x128xf32, #tpu.memory_space<hbm>>) attributes {dimension_semantics = [#tpu.dimension_semantics<core_parallel>, #tpu.dimension_semantics<subcore_parallel>], iteration_bounds = array<i64: 2, 16>, scalar_prefetch = 0 : i64, scratch_operands = 0 : i64, tpu.core_type = #tpu.core_type<sc_vector_subcore>, window_params = [{transform_indices = #map}, {transform_indices = #map}, {transform_indices = #map}, {transform_indices = #map}, {transform_indices = #map}, {transform_indices = #map}]} {
    %mul3A = arith.constant 1 : i32
    %mul3A_0 = arith.muli %arg1, %mul3A : i32
    %add3A = arith.constant 0 : i32
    %add3A_1 = arith.addi %add3A, %mul3A_0 : i32
    %mul3A_2 = arith.constant 16 : i32
    %mul3A_3 = arith.muli %arg0, %mul3A_2 : i32
    %add3A_4 = arith.addi %add3A_1, %mul3A_3 : i32
    %mul3A_5 = arith.constant 79 : i32
    %mul3A_6 = arith.muli %add3A_4, %mul3A_5 : i32
    "tpu.region"() ({
      %run_scoped3A = memref.alloca() : memref<2x1x128xi32, #tpu.memory_space<vmem>>
      %run_scoped3A_7 = tpu.sem_alloc : memref<2x!tpu.dma_semaphore, #tpu.memory_space<semaphore_mem>>
      %run_scoped3A_8 = memref.alloca() : memref<2x1x128xi32, #tpu.memory_space<vmem>>
      %run_scoped3A_9 = tpu.sem_alloc : memref<2x!tpu.dma_semaphore, #tpu.memory_space<semaphore_mem>>
      %run_scoped3A_10 = memref.alloca() : memref<2x128x128xf32, #tpu.memory_space<vmem>>
      %run_scoped3A_11 = tpu.sem_alloc : memref<2x!tpu.dma_semaphore, #tpu.memory_space<semaphore_mem>>
      %run_scoped3A_12 = memref.alloca() : memref<2x128x128xf32, #tpu.memory_space<vmem>>
      %run_scoped3A_13 = tpu.sem_alloc : memref<2x!tpu.dma_semaphore, #tpu.memory_space<semaphore_mem>>
      %add3A_14 = arith.constant 0 : i32
      %add3A_15 = arith.addi %add3A_14, %mul3A_6 : i32
      %select_n3A = arith.constant true
      %select_n3A_16 = arith.constant 0 : i32
      %select_n3A_17 = arith.constant -1 : i32
      %select_n3A_18 = arith.select %select_n3A, %select_n3A_17, %select_n3A_16 : i32
      %eq3A = arith.constant -1 : i32
      %eq3A_19 = arith.cmpi eq, %select_n3A_18, %eq3A : i32
      %select_n3A_20 = arith.constant 78 : i32
      %select_n3A_21 = arith.select %eq3A_19, %select_n3A_20, %select_n3A_18 : i32
      %add3A_22 = arith.addi %select_n3A_21, %mul3A_6 : i32
      %select_n3A_23 = arith.constant true
      %select_n3A_24 = arith.constant 0 : i32
      %select_n3A_25 = arith.constant 1 : i32
      %select_n3A_26 = arith.select %select_n3A_23, %select_n3A_25, %select_n3A_24 : i32
      %eq3A_27 = arith.constant 79 : i32
      %eq3A_28 = arith.cmpi eq, %select_n3A_26, %eq3A_27 : i32
      %select_n3A_29 = arith.constant 0 : i32
      %select_n3A_30 = arith.select %eq3A_28, %select_n3A_29, %select_n3A_26 : i32
      %add3A_31 = arith.addi %select_n3A_30, %mul3A_6 : i32
      %add3A_32 = arith.constant 1 : i32
      %add3A_33 = arith.addi %select_n3A_30, %add3A_32 : i32
      %select_n3A_34 = arith.constant true
      %select_n3A_35 = arith.select %select_n3A_34, %add3A_33, %select_n3A_30 : i32
      %eq3A_36 = arith.constant 79 : i32
      %eq3A_37 = arith.cmpi eq, %select_n3A_35, %eq3A_36 : i32
      %select_n3A_38 = arith.constant 0 : i32
      %select_n3A_39 = arith.select %eq3A_37, %select_n3A_38, %select_n3A_35 : i32
      %add3A_40 = arith.addi %select_n3A_39, %mul3A_6 : i32
      "tpu.trace_start"() <{level = 10 : i32, message = "ep_initialize_0"}> : () -> ()
      %rem3A = arith.constant 0 : i32
      %rem3A_41 = arith.constant 2 : i32
      %rem3A_42 = arith.remui %rem3A, %rem3A_41 : i32
      %mul3A_43 = arith.constant 128 : i32
      %mul3A_44 = arith.muli %mul3A_43, %add3A_15 : i32
      %dma_start3A = arith.constant 0 : i32
      %dma_start3A_45 = arith.constant 0 : i32
      %dma_start3A_46 = tpu.memref_slice %run_scoped3A[%rem3A_42, %dma_start3A, %dma_start3A_45] : memref<2x1x128xi32, #tpu.memory_space<vmem>> -> memref<1x1x128xi32, #tpu.memory_space<vmem>>
      %dma_start3A_47 = tpu.memref_squeeze %dma_start3A_46 : memref<1x1x128xi32, #tpu.memory_space<vmem>> -> memref<1x128xi32, #tpu.memory_space<vmem>>
      %dma_start3A_48 = arith.constant 0 : i32
      %dma_start3A_49 = tpu.memref_slice %arg4[%dma_start3A_48, %mul3A_44] : memref<1x323584xi32, #tpu.memory_space<hbm>> -> memref<1x128xi32, #tpu.memory_space<hbm>>
      %dma_start3A_50 = tpu.memref_slice %run_scoped3A_7[%rem3A_42] : memref<2x!tpu.dma_semaphore, #tpu.memory_space<semaphore_mem>> -> memref<1x!tpu.dma_semaphore, #tpu.memory_space<semaphore_mem>>
      %dma_start3A_51 = tpu.memref_squeeze %dma_start3A_50 : memref<1x!tpu.dma_semaphore, #tpu.memory_space<semaphore_mem>> -> memref<!tpu.dma_semaphore, #tpu.memory_space<semaphore_mem>>
      %dma_start3A_52 = arith.constant 0 : i32
      %dma_start3A_53 = arith.constant 0 : i32
      %dma_start3A_54 = tpu.memref_slice %run_scoped3A[%rem3A_42, %dma_start3A_52, %dma_start3A_53] : memref<2x1x128xi32, #tpu.memory_space<vmem>> -> memref<1x1x128xi32, #tpu.memory_space<vmem>>
      %dma_start3A_55 = tpu.memref_squeeze %dma_start3A_54 : memref<1x1x128xi32, #tpu.memory_space<vmem>> -> memref<1x128xi32, #tpu.memory_space<vmem>>
      %dma_start3A_56 = arith.constant 0 : i32
      %dma_start3A_57 = tpu.memref_slice %arg4[%dma_start3A_56, %mul3A_44] : memref<1x323584xi32, #tpu.memory_space<hbm>> -> memref<1x128xi32, #tpu.memory_space<hbm>>
      tpu.enqueue_dma source(%dma_start3A_57 : memref<1x128xi32, #tpu.memory_space<hbm>>) target(%dma_start3A_55 : memref<1x128xi32, #tpu.memory_space<vmem>>) target_semaphore(%dma_start3A_51 : memref<!tpu.dma_semaphore, #tpu.memory_space<semaphore_mem>>)
      %add3A_58 = arith.constant 0 : i32
      %add3A_59 = arith.constant 1 : i32
      %add3A_60 = arith.addi %add3A_58, %add3A_59 : i32
      %select_n3A_61 = arith.constant true
      %select_n3A_62 = arith.constant 0 : i32
      %select_n3A_63 = arith.select %select_n3A_61, %add3A_60, %select_n3A_62 : i32
      %rem3A_64 = arith.constant 0 : i32
      %rem3A_65 = arith.constant 2 : i32
      %rem3A_66 = arith.remui %rem3A_64, %rem3A_65 : i32
      %mul3A_67 = arith.constant 128 : i32
      %mul3A_68 = arith.muli %mul3A_67, %add3A_15 : i32
      %dma_start3A_69 = arith.constant 0 : i32
      %dma_start3A_70 = arith.constant 0 : i32
      %dma_start3A_71 = tpu.memref_slice %run_scoped3A_8[%rem3A_66, %dma_start3A_69, %dma_start3A_70] : memref<2x1x128xi32, #tpu.memory_space<vmem>> -> memref<1x1x128xi32, #tpu.memory_space<vmem>>
      %dma_start3A_72 = tpu.memref_squeeze %dma_start3A_71 : memref<1x1x128xi32, #tpu.memory_space<vmem>> -> memref<1x128xi32, #tpu.memory_space<vmem>>
      %dma_start3A_73 = arith.constant 0 : i32
      %dma_start3A_74 = tpu.memref_slice %arg5[%dma_start3A_73, %mul3A_68] : memref<1x323584xi32, #tpu.memory_space<hbm>> -> memref<1x128xi32, #tpu.memory_space<hbm>>
      %dma_start3A_75 = tpu.memref_slice %run_scoped3A_9[%rem3A_66] : memref<2x!tpu.dma_semaphore, #tpu.memory_space<semaphore_mem>> -> memref<1x!tpu.dma_semaphore, #tpu.memory_space<semaphore_mem>>
      %dma_start3A_76 = tpu.memref_squeeze %dma_start3A_75 : memref<1x!tpu.dma_semaphore, #tpu.memory_space<semaphore_mem>> -> memref<!tpu.dma_semaphore, #tpu.memory_space<semaphore_mem>>
      %dma_start3A_77 = arith.constant 0 : i32
      %dma_start3A_78 = arith.constant 0 : i32
      %dma_start3A_79 = tpu.memref_slice %run_scoped3A_8[%rem3A_66, %dma_start3A_77, %dma_start3A_78] : memref<2x1x128xi32, #tpu.memory_space<vmem>> -> memref<1x1x128xi32, #tpu.memory_space<vmem>>
      %dma_start3A_80 = tpu.memref_squeeze %dma_start3A_79 : memref<1x1x128xi32, #tpu.memory_space<vmem>> -> memref<1x128xi32, #tpu.memory_space<vmem>>
      %dma_start3A_81 = arith.constant 0 : i32
      %dma_start3A_82 = tpu.memref_slice %arg5[%dma_start3A_81, %mul3A_68] : memref<1x323584xi32, #tpu.memory_space<hbm>> -> memref<1x128xi32, #tpu.memory_space<hbm>>
      tpu.enqueue_dma source(%dma_start3A_82 : memref<1x128xi32, #tpu.memory_space<hbm>>) target(%dma_start3A_80 : memref<1x128xi32, #tpu.memory_space<vmem>>) target_semaphore(%dma_start3A_76 : memref<!tpu.dma_semaphore, #tpu.memory_space<semaphore_mem>>)
      %add3A_83 = arith.constant 0 : i32
      %add3A_84 = arith.constant 1 : i32
      %add3A_85 = arith.addi %add3A_83, %add3A_84 : i32
      %select_n3A_86 = arith.constant true
      %select_n3A_87 = arith.constant 0 : i32
      %select_n3A_88 = arith.select %select_n3A_86, %add3A_85, %select_n3A_87 : i32
      "tpu.trace_stop"() : () -> ()
      %scan3A = arith.constant 0 : i32
      %scan3A_89 = arith.constant 0 : i32
      %scan3A_90 = arith.constant 0 : i32
      %scan3A_91 = arith.constant 0 : i32
      %scan3A_92 = arith.constant 0 : i32
      %scan3A_93 = arith.constant 0 : i32
      %scan3A_94 = arith.constant 0 : i32
      %scan3A_95 = arith.constant 0 : i32
      %scan3A_96 = arith.constant 79 : i32
      %scan3A_97 = arith.addi %scan3A_95, %scan3A_96 : i32
      %scan3A_98 = arith.constant 1 : i32
      %scan3A_99:9 = scf.for %scan3A_171 = %scan3A_95 to %scan3A_97 step %scan3A_98 iter_args(%scan3A_172 = %select_n3A_63, %scan3A_173 = %scan3A, %scan3A_174 = %select_n3A_88, %scan3A_175 = %scan3A_89, %scan3A_176 = %scan3A_90, %scan3A_177 = %scan3A_91, %scan3A_178 = %scan3A_92, %scan3A_179 = %scan3A_93, %scan3A_180 = %scan3A_94) -> (i32, i32, i32, i32, i32, i32, i32, i32, i32)  : i32 {
        %eq3A_181 = arith.constant 0 : i32
        %eq3A_182 = arith.cmpi eq, %scan3A_171, %eq3A_181 : i32
        %eq3A_183 = arith.constant 78 : i32
        %eq3A_184 = arith.cmpi eq, %scan3A_171, %eq3A_183 : i32
        %add3A_185 = arith.addi %scan3A_180, %mul3A_6 : i32
        %sub3A_186 = arith.constant 1 : i32
        %sub3A_187 = arith.subi %scan3A_180, %sub3A_186 : i32
        %select_n3A_188 = arith.constant true
        %select_n3A_189 = arith.select %select_n3A_188, %sub3A_187, %scan3A_180 : i32
        %eq3A_190 = arith.constant -1 : i32
        %eq3A_191 = arith.cmpi eq, %select_n3A_189, %eq3A_190 : i32
        %select_n3A_192 = arith.constant 78 : i32
        %select_n3A_193 = arith.select %eq3A_191, %select_n3A_192, %select_n3A_189 : i32
        %add3A_194 = arith.addi %select_n3A_193, %mul3A_6 : i32
        %add3A_195 = arith.constant 1 : i32
        %add3A_196 = arith.addi %scan3A_180, %add3A_195 : i32
        %select_n3A_197 = arith.constant true
        %select_n3A_198 = arith.select %select_n3A_197, %add3A_196, %scan3A_180 : i32
        %eq3A_199 = arith.constant 79 : i32
        %eq3A_200 = arith.cmpi eq, %select_n3A_198, %eq3A_199 : i32
        %select_n3A_201 = arith.constant 0 : i32
        %select_n3A_202 = arith.select %eq3A_200, %select_n3A_201, %select_n3A_198 : i32
        %add3A_203 = arith.addi %select_n3A_202, %mul3A_6 : i32
        %add3A_204 = arith.constant 1 : i32
        %add3A_205 = arith.addi %select_n3A_202, %add3A_204 : i32
        %select_n3A_206 = arith.constant true
        %select_n3A_207 = arith.select %select_n3A_206, %add3A_205, %select_n3A_202 : i32
        %eq3A_208 = arith.constant 79 : i32
        %eq3A_209 = arith.cmpi eq, %select_n3A_207, %eq3A_208 : i32
        %select_n3A_210 = arith.constant 0 : i32
        %select_n3A_211 = arith.select %eq3A_209, %select_n3A_210, %select_n3A_207 : i32
        %add3A_212 = arith.addi %select_n3A_211, %mul3A_6 : i32
        %ne3A = arith.cmpi ne, %add3A_185, %add3A_203 : i32
        %or3A = arith.constant false
        %or3A_213 = arith.ori %or3A, %ne3A : i1
        %ge3A = arith.constant 78 : i32
        %ge3A_214 = arith.cmpi sge, %scan3A_171, %ge3A : i32
        %not3A = arith.constant true
        %not3A_215 = arith.xori %ge3A_214, %not3A : i1
        %and3A = arith.andi %or3A_213, %not3A_215 : i1
        %convert_element_type3A = arith.extui %and3A : i1 to i32
        %cond3A = arith.constant 0 : i32
        %cond3A_216 = arith.cmpi ne, %convert_element_type3A, %cond3A : i32
        scf.if %cond3A_216 {
          "tpu.trace_start"() <{level = 10 : i32, message = "ep_copy_in"}> : () -> ()
          %rem3A_422 = arith.constant 2 : i32
          %rem3A_423 = arith.remui %scan3A_172, %rem3A_422 : i32
          %mul3A_424 = arith.constant 128 : i32
          %mul3A_425 = arith.muli %mul3A_424, %add3A_203 : i32
          %dma_start3A_426 = arith.constant 0 : i32
          %dma_start3A_427 = arith.constant 0 : i32
          %dma_start3A_428 = tpu.memref_slice %run_scoped3A[%rem3A_423, %dma_start3A_426, %dma_start3A_427] : memref<2x1x128xi32, #tpu.memory_space<vmem>> -> memref<1x1x128xi32, #tpu.memory_space<vmem>>
          %dma_start3A_429 = tpu.memref_squeeze %dma_start3A_428 : memref<1x1x128xi32, #tpu.memory_space<vmem>> -> memref<1x128xi32, #tpu.memory_space<vmem>>
          %dma_start3A_430 = arith.constant 0 : i32
          %dma_start3A_431 = tpu.memref_slice %arg4[%dma_start3A_430, %mul3A_425] : memref<1x323584xi32, #tpu.memory_space<hbm>> -> memref<1x128xi32, #tpu.memory_space<hbm>>
          %dma_start3A_432 = tpu.memref_slice %run_scoped3A_7[%rem3A_423] : memref<2x!tpu.dma_semaphore, #tpu.memory_space<semaphore_mem>> -> memref<1x!tpu.dma_semaphore, #tpu.memory_space<semaphore_mem>>
          %dma_start3A_433 = tpu.memref_squeeze %dma_start3A_432 : memref<1x!tpu.dma_semaphore, #tpu.memory_space<semaphore_mem>> -> memref<!tpu.dma_semaphore, #tpu.memory_space<semaphore_mem>>
          %dma_start3A_434 = arith.constant 0 : i32
          %dma_start3A_435 = arith.constant 0 : i32
          %dma_start3A_436 = tpu.memref_slice %run_scoped3A[%rem3A_423, %dma_start3A_434, %dma_start3A_435] : memref<2x1x128xi32, #tpu.memory_space<vmem>> -> memref<1x1x128xi32, #tpu.memory_space<vmem>>
          %dma_start3A_437 = tpu.memref_squeeze %dma_start3A_436 : memref<1x1x128xi32, #tpu.memory_space<vmem>> -> memref<1x128xi32, #tpu.memory_space<vmem>>
          %dma_start3A_438 = arith.constant 0 : i32
          %dma_start3A_439 = tpu.memref_slice %arg4[%dma_start3A_438, %mul3A_425] : memref<1x323584xi32, #tpu.memory_space<hbm>> -> memref<1x128xi32, #tpu.memory_space<hbm>>
          tpu.enqueue_dma source(%dma_start3A_439 : memref<1x128xi32, #tpu.memory_space<hbm>>) target(%dma_start3A_437 : memref<1x128xi32, #tpu.memory_space<vmem>>) target_semaphore(%dma_start3A_433 : memref<!tpu.dma_semaphore, #tpu.memory_space<semaphore_mem>>)
          "tpu.trace_stop"() : () -> ()
        } else {
        }
        %and3A_217 = arith.constant true
        %and3A_218 = arith.andi %and3A, %and3A_217 : i1
        %add3A_219 = arith.constant 1 : i32
        %add3A_220 = arith.addi %scan3A_172, %add3A_219 : i32
        %select_n3A_221 = arith.select %and3A_218, %add3A_220, %scan3A_172 : i32
        %ne3A_222 = arith.cmpi ne, %add3A_185, %add3A_203 : i32
        %or3A_223 = arith.constant false
        %or3A_224 = arith.ori %or3A_223, %ne3A_222 : i1
        %ge3A_225 = arith.constant 78 : i32
        %ge3A_226 = arith.cmpi sge, %scan3A_171, %ge3A_225 : i32
        %not3A_227 = arith.constant true
        %not3A_228 = arith.xori %ge3A_226, %not3A_227 : i1
        %and3A_229 = arith.andi %or3A_224, %not3A_228 : i1
        %convert_element_type3A_230 = arith.extui %and3A_229 : i1 to i32
        %cond3A_231 = arith.constant 0 : i32
        %cond3A_232 = arith.cmpi ne, %convert_element_type3A_230, %cond3A_231 : i32
        scf.if %cond3A_232 {
          "tpu.trace_start"() <{level = 10 : i32, message = "ep_copy_in"}> : () -> ()
          %rem3A_422 = arith.constant 2 : i32
          %rem3A_423 = arith.remui %scan3A_174, %rem3A_422 : i32
          %mul3A_424 = arith.constant 128 : i32
          %mul3A_425 = arith.muli %mul3A_424, %add3A_203 : i32
          %dma_start3A_426 = arith.constant 0 : i32
          %dma_start3A_427 = arith.constant 0 : i32
          %dma_start3A_428 = tpu.memref_slice %run_scoped3A_8[%rem3A_423, %dma_start3A_426, %dma_start3A_427] : memref<2x1x128xi32, #tpu.memory_space<vmem>> -> memref<1x1x128xi32, #tpu.memory_space<vmem>>
          %dma_start3A_429 = tpu.memref_squeeze %dma_start3A_428 : memref<1x1x128xi32, #tpu.memory_space<vmem>> -> memref<1x128xi32, #tpu.memory_space<vmem>>
          %dma_start3A_430 = arith.constant 0 : i32
          %dma_start3A_431 = tpu.memref_slice %arg5[%dma_start3A_430, %mul3A_425] : memref<1x323584xi32, #tpu.memory_space<hbm>> -> memref<1x128xi32, #tpu.memory_space<hbm>>
          %dma_start3A_432 = tpu.memref_slice %run_scoped3A_9[%rem3A_423] : memref<2x!tpu.dma_semaphore, #tpu.memory_space<semaphore_mem>> -> memref<1x!tpu.dma_semaphore, #tpu.memory_space<semaphore_mem>>
          %dma_start3A_433 = tpu.memref_squeeze %dma_start3A_432 : memref<1x!tpu.dma_semaphore, #tpu.memory_space<semaphore_mem>> -> memref<!tpu.dma_semaphore, #tpu.memory_space<semaphore_mem>>
          %dma_start3A_434 = arith.constant 0 : i32
          %dma_start3A_435 = arith.constant 0 : i32
          %dma_start3A_436 = tpu.memref_slice %run_scoped3A_8[%rem3A_423, %dma_start3A_434, %dma_start3A_435] : memref<2x1x128xi32, #tpu.memory_space<vmem>> -> memref<1x1x128xi32, #tpu.memory_space<vmem>>
          %dma_start3A_437 = tpu.memref_squeeze %dma_start3A_436 : memref<1x1x128xi32, #tpu.memory_space<vmem>> -> memref<1x128xi32, #tpu.memory_space<vmem>>
          %dma_start3A_438 = arith.constant 0 : i32
          %dma_start3A_439 = tpu.memref_slice %arg5[%dma_start3A_438, %mul3A_425] : memref<1x323584xi32, #tpu.memory_space<hbm>> -> memref<1x128xi32, #tpu.memory_space<hbm>>
          tpu.enqueue_dma source(%dma_start3A_439 : memref<1x128xi32, #tpu.memory_space<hbm>>) target(%dma_start3A_437 : memref<1x128xi32, #tpu.memory_space<vmem>>) target_semaphore(%dma_start3A_433 : memref<!tpu.dma_semaphore, #tpu.memory_space<semaphore_mem>>)
          "tpu.trace_stop"() : () -> ()
        } else {
        }
        %and3A_233 = arith.constant true
        %and3A_234 = arith.andi %and3A_229, %and3A_233 : i1
        %add3A_235 = arith.constant 1 : i32
        %add3A_236 = arith.addi %scan3A_174, %add3A_235 : i32
        %select_n3A_237 = arith.select %and3A_234, %add3A_236, %scan3A_174 : i32
        %ne3A_238 = arith.cmpi ne, %add3A_185, %add3A_203 : i32
        %or3A_239 = arith.constant false
        %or3A_240 = arith.ori %or3A_239, %ne3A_238 : i1
        %or3A_241 = arith.constant false
        %or3A_242 = arith.ori %or3A_240, %or3A_241 : i1
        %ge3A_243 = arith.constant 78 : i32
        %ge3A_244 = arith.cmpi sge, %scan3A_171, %ge3A_243 : i32
        %not3A_245 = arith.constant true
        %not3A_246 = arith.xori %ge3A_244, %not3A_245 : i1
        %and3A_247 = arith.andi %or3A_242, %not3A_246 : i1
        %ne3A_248 = arith.cmpi ne, %add3A_185, %add3A_203 : i32
        %or3A_249 = arith.constant false
        %or3A_250 = arith.ori %or3A_249, %ne3A_248 : i1
        %or3A_251 = arith.constant false
        %or3A_252 = arith.ori %or3A_250, %or3A_251 : i1
        %ge3A_253 = arith.constant 78 : i32
        %ge3A_254 = arith.cmpi sge, %scan3A_171, %ge3A_253 : i32
        %not3A_255 = arith.constant true
        %not3A_256 = arith.xori %ge3A_254, %not3A_255 : i1
        %and3A_257 = arith.andi %or3A_252, %not3A_256 : i1
        %ne3A_258 = arith.cmpi ne, %add3A_185, %add3A_194 : i32
        %or3A_259 = arith.constant false
        %or3A_260 = arith.ori %or3A_259, %ne3A_258 : i1
        %or3A_261 = arith.ori %or3A_260, %eq3A_182 : i1
        %convert_element_type3A_262 = arith.extui %or3A_261 : i1 to i32
        %cond3A_263 = arith.constant 0 : i32
        %cond3A_264 = arith.cmpi ne, %convert_element_type3A_262, %cond3A_263 : i32
        scf.if %cond3A_264 {
          "tpu.trace_start"() <{level = 10 : i32, message = "ep_wait_in"}> : () -> ()
          %mul3A_422 = arith.constant 128 : i32
          %mul3A_423 = arith.muli %mul3A_422, %add3A_185 : i32
          %rem3A_424 = arith.constant 2 : i32
          %rem3A_425 = arith.remui %scan3A_173, %rem3A_424 : i32
          %dma_wait3A_426 = arith.constant 0 : i32
          %dma_wait3A_427 = arith.constant 0 : i32
          %dma_wait3A_428 = tpu.memref_slice %run_scoped3A[%rem3A_425, %dma_wait3A_426, %dma_wait3A_427] : memref<2x1x128xi32, #tpu.memory_space<vmem>> -> memref<1x1x128xi32, #tpu.memory_space<vmem>>
          %dma_wait3A_429 = tpu.memref_squeeze %dma_wait3A_428 : memref<1x1x128xi32, #tpu.memory_space<vmem>> -> memref<1x128xi32, #tpu.memory_space<vmem>>
          %dma_wait3A_430 = arith.constant 0 : i32
          %dma_wait3A_431 = tpu.memref_slice %arg4[%dma_wait3A_430, %mul3A_423] : memref<1x323584xi32, #tpu.memory_space<hbm>> -> memref<1x128xi32, #tpu.memory_space<hbm>>
          %dma_wait3A_432 = tpu.memref_slice %run_scoped3A_7[%rem3A_425] : memref<2x!tpu.dma_semaphore, #tpu.memory_space<semaphore_mem>> -> memref<1x!tpu.dma_semaphore, #tpu.memory_space<semaphore_mem>>
          %dma_wait3A_433 = tpu.memref_squeeze %dma_wait3A_432 : memref<1x!tpu.dma_semaphore, #tpu.memory_space<semaphore_mem>> -> memref<!tpu.dma_semaphore, #tpu.memory_space<semaphore_mem>>
          %dma_wait3A_434 = arith.constant 0 : i32
          %dma_wait3A_435 = arith.constant 0 : i32
          %dma_wait3A_436 = tpu.memref_slice %run_scoped3A[%rem3A_425, %dma_wait3A_434, %dma_wait3A_435] : memref<2x1x128xi32, #tpu.memory_space<vmem>> -> memref<1x1x128xi32, #tpu.memory_space<vmem>>
          %dma_wait3A_437 = tpu.memref_squeeze %dma_wait3A_436 : memref<1x1x128xi32, #tpu.memory_space<vmem>> -> memref<1x128xi32, #tpu.memory_space<vmem>>
          %dma_wait3A_438 = arith.constant 0 : i32
          %dma_wait3A_439 = tpu.memref_slice %arg4[%dma_wait3A_438, %mul3A_423] : memref<1x323584xi32, #tpu.memory_space<hbm>> -> memref<1x128xi32, #tpu.memory_space<hbm>>
          tpu.wait_dma2 semaphore(%dma_wait3A_433 : memref<!tpu.dma_semaphore, #tpu.memory_space<semaphore_mem>>) src(%dma_wait3A_439 : memref<1x128xi32, #tpu.memory_space<hbm>>) dst(%dma_wait3A_437 : memref<1x128xi32, #tpu.memory_space<vmem>>)
          "tpu.trace_stop"() : () -> ()
        } else {
        }
        %ne3A_265 = arith.cmpi ne, %add3A_185, %add3A_194 : i32
        %or3A_266 = arith.constant false
        %or3A_267 = arith.ori %or3A_266, %ne3A_265 : i1
        %or3A_268 = arith.ori %or3A_267, %eq3A_182 : i1
        %convert_element_type3A_269 = arith.extui %or3A_268 : i1 to i32
        %cond3A_270 = arith.constant 0 : i32
        %cond3A_271 = arith.cmpi ne, %convert_element_type3A_269, %cond3A_270 : i32
        scf.if %cond3A_271 {
          "tpu.trace_start"() <{level = 10 : i32, message = "ep_wait_in"}> : () -> ()
          %mul3A_422 = arith.constant 128 : i32
          %mul3A_423 = arith.muli %mul3A_422, %add3A_185 : i32
          %rem3A_424 = arith.constant 2 : i32
          %rem3A_425 = arith.remui %scan3A_175, %rem3A_424 : i32
          %dma_wait3A_426 = arith.constant 0 : i32
          %dma_wait3A_427 = arith.constant 0 : i32
          %dma_wait3A_428 = tpu.memref_slice %run_scoped3A_8[%rem3A_425, %dma_wait3A_426, %dma_wait3A_427] : memref<2x1x128xi32, #tpu.memory_space<vmem>> -> memref<1x1x128xi32, #tpu.memory_space<vmem>>
          %dma_wait3A_429 = tpu.memref_squeeze %dma_wait3A_428 : memref<1x1x128xi32, #tpu.memory_space<vmem>> -> memref<1x128xi32, #tpu.memory_space<vmem>>
          %dma_wait3A_430 = arith.constant 0 : i32
          %dma_wait3A_431 = tpu.memref_slice %arg5[%dma_wait3A_430, %mul3A_423] : memref<1x323584xi32, #tpu.memory_space<hbm>> -> memref<1x128xi32, #tpu.memory_space<hbm>>
          %dma_wait3A_432 = tpu.memref_slice %run_scoped3A_9[%rem3A_425] : memref<2x!tpu.dma_semaphore, #tpu.memory_space<semaphore_mem>> -> memref<1x!tpu.dma_semaphore, #tpu.memory_space<semaphore_mem>>
          %dma_wait3A_433 = tpu.memref_squeeze %dma_wait3A_432 : memref<1x!tpu.dma_semaphore, #tpu.memory_space<semaphore_mem>> -> memref<!tpu.dma_semaphore, #tpu.memory_space<semaphore_mem>>
          %dma_wait3A_434 = arith.constant 0 : i32
          %dma_wait3A_435 = arith.constant 0 : i32
          %dma_wait3A_436 = tpu.memref_slice %run_scoped3A_8[%rem3A_425, %dma_wait3A_434, %dma_wait3A_435] : memref<2x1x128xi32, #tpu.memory_space<vmem>> -> memref<1x1x128xi32, #tpu.memory_space<vmem>>
          %dma_wait3A_437 = tpu.memref_squeeze %dma_wait3A_436 : memref<1x1x128xi32, #tpu.memory_space<vmem>> -> memref<1x128xi32, #tpu.memory_space<vmem>>
          %dma_wait3A_438 = arith.constant 0 : i32
          %dma_wait3A_439 = tpu.memref_slice %arg5[%dma_wait3A_438, %mul3A_423] : memref<1x323584xi32, #tpu.memory_space<hbm>> -> memref<1x128xi32, #tpu.memory_space<hbm>>
          tpu.wait_dma2 semaphore(%dma_wait3A_433 : memref<!tpu.dma_semaphore, #tpu.memory_space<semaphore_mem>>) src(%dma_wait3A_439 : memref<1x128xi32, #tpu.memory_space<hbm>>) dst(%dma_wait3A_437 : memref<1x128xi32, #tpu.memory_space<vmem>>)
          "tpu.trace_stop"() : () -> ()
        } else {
        }
        %ne3A_272 = arith.cmpi ne, %add3A_185, %add3A_194 : i32
        %or3A_273 = arith.constant false
        %or3A_274 = arith.ori %or3A_273, %ne3A_272 : i1
        %or3A_275 = arith.constant false
        %or3A_276 = arith.ori %or3A_274, %or3A_275 : i1
        %or3A_277 = arith.ori %or3A_276, %eq3A_182 : i1
        %convert_element_type3A_278 = arith.extui %or3A_277 : i1 to i32
        %cond3A_279 = arith.constant 0 : i32
        %cond3A_280 = arith.cmpi ne, %convert_element_type3A_278, %cond3A_279 : i32
        scf.if %cond3A_280 {
        } else {
        }
        %ne3A_281 = arith.cmpi ne, %add3A_185, %add3A_194 : i32
        %or3A_282 = arith.constant false
        %or3A_283 = arith.ori %or3A_282, %ne3A_281 : i1
        %or3A_284 = arith.constant false
        %or3A_285 = arith.ori %or3A_283, %or3A_284 : i1
        %or3A_286 = arith.ori %or3A_285, %eq3A_182 : i1
        %convert_element_type3A_287 = arith.extui %or3A_286 : i1 to i32
        %cond3A_288 = arith.constant 0 : i32
        %cond3A_289 = arith.cmpi ne, %convert_element_type3A_287, %cond3A_288 : i32
        scf.if %cond3A_289 {
        } else {
        }
        %rem3A_290 = arith.constant 2 : i32
        %rem3A_291 = arith.remui %scan3A_173, %rem3A_290 : i32
        %rem3A_292 = arith.constant 2 : i32
        %rem3A_293 = arith.remui %scan3A_175, %rem3A_292 : i32
        %rem3A_294 = arith.constant 2 : i32
        %rem3A_295 = arith.remui %scan3A_176, %rem3A_294 : i32
        %rem3A_296 = arith.constant 2 : i32
        %rem3A_297 = arith.remui %scan3A_178, %rem3A_296 : i32
        %run_scoped3A_298 = arith.constant 0 : i32
        "tpu.trace_start"() <{level = 10 : i32, message = "ep_run_kernel"}> : () -> ()
        "tpu.region"() ({
          %run_scoped3A_422 = tpu.sem_alloc : memref<!tpu.dma_semaphore, #tpu.memory_space<semaphore_mem>>
          %dma_start3A_423 = arith.constant 0 : i32
          %dma_start3A_424 = arith.constant 0 : i32
          %dma_start3A_425 = tpu.memref_slice %run_scoped3A_10[%rem3A_295, %dma_start3A_423, %dma_start3A_424] : memref<2x128x128xf32, #tpu.memory_space<vmem>> -> memref<1x128x128xf32, #tpu.memory_space<vmem>>
          %dma_start3A_426 = tpu.memref_squeeze %dma_start3A_425 : memref<1x128x128xf32, #tpu.memory_space<vmem>> -> memref<128x128xf32, #tpu.memory_space<vmem>>
          %dma_start3A_427 = arith.constant 0 : i32
          %dma_start3A_428 = arith.constant 0 : i32
          %dma_start3A_429 = tpu.memref_slice %run_scoped3A[%rem3A_291, %dma_start3A_427, %dma_start3A_428] : memref<2x1x128xi32, #tpu.memory_space<vmem>> -> memref<1x1x128xi32, #tpu.memory_space<vmem>>
          %dma_start3A_430 = tpu.memref_squeeze %dma_start3A_429 : memref<1x1x128xi32, #tpu.memory_space<vmem>> -> memref<1x128xi32, #tpu.memory_space<vmem>>
          %dma_start3A_431 = arith.constant 0 : i32
          %dma_start3A_432 = tpu.memref_slice %dma_start3A_430[%run_scoped3A_298, %dma_start3A_431] : memref<1x128xi32, #tpu.memory_space<vmem>> -> memref<1x128xi32, #tpu.memory_space<vmem>>
          %dma_start3A_433 = tpu.memref_squeeze %dma_start3A_432 : memref<1x128xi32, #tpu.memory_space<vmem>> -> memref<128xi32, #tpu.memory_space<vmem>>
          %dma_start3A_434 = arith.constant 0 : i32
          %dma_start3A_435 = arith.constant 0 : i32
          %dma_start3A_436 = tpu.memref_slice %arg2[%dma_start3A_434, %dma_start3A_435] : memref<10000x128xf32, #tpu.memory_space<hbm>> -> memref<10000x128xf32, #tpu.memory_space<hbm>>
          tpu.enqueue_indirect_dma source(%dma_start3A_436 : memref<10000x128xf32, #tpu.memory_space<hbm>>) target(%dma_start3A_426 : memref<128x128xf32, #tpu.memory_space<vmem>>) offsets(%dma_start3A_433 : memref<128xi32, #tpu.memory_space<vmem>>) semaphore(%run_scoped3A_422 : memref<!tpu.dma_semaphore, #tpu.memory_space<semaphore_mem>>)
          %dma_wait3A_437 = arith.constant 0 : i32
          %dma_wait3A_438 = arith.constant 0 : i32
          %dma_wait3A_439 = tpu.memref_slice %run_scoped3A_10[%rem3A_295, %dma_wait3A_437, %dma_wait3A_438] : memref<2x128x128xf32, #tpu.memory_space<vmem>> -> memref<1x128x128xf32, #tpu.memory_space<vmem>>
          %dma_wait3A_440 = tpu.memref_squeeze %dma_wait3A_439 : memref<1x128x128xf32, #tpu.memory_space<vmem>> -> memref<128x128xf32, #tpu.memory_space<vmem>>
          %dma_wait3A_441 = arith.constant 0 : i32
          %dma_wait3A_442 = arith.constant 0 : i32
          %dma_wait3A_443 = tpu.memref_slice %run_scoped3A[%rem3A_291, %dma_wait3A_441, %dma_wait3A_442] : memref<2x1x128xi32, #tpu.memory_space<vmem>> -> memref<1x1x128xi32, #tpu.memory_space<vmem>>
          %dma_wait3A_444 = tpu.memref_squeeze %dma_wait3A_443 : memref<1x1x128xi32, #tpu.memory_space<vmem>> -> memref<1x128xi32, #tpu.memory_space<vmem>>
          %dma_wait3A_445 = arith.constant 0 : i32
          %dma_wait3A_446 = tpu.memref_slice %dma_wait3A_444[%run_scoped3A_298, %dma_wait3A_445] : memref<1x128xi32, #tpu.memory_space<vmem>> -> memref<1x128xi32, #tpu.memory_space<vmem>>
          %dma_wait3A_447 = tpu.memref_squeeze %dma_wait3A_446 : memref<1x128xi32, #tpu.memory_space<vmem>> -> memref<128xi32, #tpu.memory_space<vmem>>
          %dma_wait3A_448 = arith.constant 0 : i32
          %dma_wait3A_449 = arith.constant 0 : i32
          %dma_wait3A_450 = tpu.memref_slice %arg2[%dma_wait3A_448, %dma_wait3A_449] : memref<10000x128xf32, #tpu.memory_space<hbm>> -> memref<10000x128xf32, #tpu.memory_space<hbm>>
          tpu.wait_indirect_dma semaphore(%run_scoped3A_422 : memref<!tpu.dma_semaphore, #tpu.memory_space<semaphore_mem>>) src(%dma_wait3A_450 : memref<10000x128xf32, #tpu.memory_space<hbm>>) dst(%dma_wait3A_440 : memref<128x128xf32, #tpu.memory_space<vmem>>)
          tpu.yield
        }) : () -> ()
        %run_scoped3A_299 = arith.constant 0 : i32
        "tpu.region"() ({
          %run_scoped3A_422 = tpu.sem_alloc : memref<!tpu.dma_semaphore, #tpu.memory_space<semaphore_mem>>
          %dma_start3A_423 = arith.constant 0 : i32
          %dma_start3A_424 = arith.constant 0 : i32
          %dma_start3A_425 = tpu.memref_slice %run_scoped3A_12[%rem3A_297, %dma_start3A_423, %dma_start3A_424] : memref<2x128x128xf32, #tpu.memory_space<vmem>> -> memref<1x128x128xf32, #tpu.memory_space<vmem>>
          %dma_start3A_426 = tpu.memref_squeeze %dma_start3A_425 : memref<1x128x128xf32, #tpu.memory_space<vmem>> -> memref<128x128xf32, #tpu.memory_space<vmem>>
          %dma_start3A_427 = arith.constant 0 : i32
          %dma_start3A_428 = arith.constant 0 : i32
          %dma_start3A_429 = tpu.memref_slice %run_scoped3A_8[%rem3A_293, %dma_start3A_427, %dma_start3A_428] : memref<2x1x128xi32, #tpu.memory_space<vmem>> -> memref<1x1x128xi32, #tpu.memory_space<vmem>>
          %dma_start3A_430 = tpu.memref_squeeze %dma_start3A_429 : memref<1x1x128xi32, #tpu.memory_space<vmem>> -> memref<1x128xi32, #tpu.memory_space<vmem>>
          %dma_start3A_431 = arith.constant 0 : i32
          %dma_start3A_432 = tpu.memref_slice %dma_start3A_430[%run_scoped3A_299, %dma_start3A_431] : memref<1x128xi32, #tpu.memory_space<vmem>> -> memref<1x128xi32, #tpu.memory_space<vmem>>
          %dma_start3A_433 = tpu.memref_squeeze %dma_start3A_432 : memref<1x128xi32, #tpu.memory_space<vmem>> -> memref<128xi32, #tpu.memory_space<vmem>>
          %dma_start3A_434 = arith.constant 0 : i32
          %dma_start3A_435 = arith.constant 0 : i32
          %dma_start3A_436 = tpu.memref_slice %arg3[%dma_start3A_434, %dma_start3A_435] : memref<10000x128xf32, #tpu.memory_space<hbm>> -> memref<10000x128xf32, #tpu.memory_space<hbm>>
          tpu.enqueue_indirect_dma source(%dma_start3A_436 : memref<10000x128xf32, #tpu.memory_space<hbm>>) target(%dma_start3A_426 : memref<128x128xf32, #tpu.memory_space<vmem>>) offsets(%dma_start3A_433 : memref<128xi32, #tpu.memory_space<vmem>>) semaphore(%run_scoped3A_422 : memref<!tpu.dma_semaphore, #tpu.memory_space<semaphore_mem>>)
          %dma_wait3A_437 = arith.constant 0 : i32
          %dma_wait3A_438 = arith.constant 0 : i32
          %dma_wait3A_439 = tpu.memref_slice %run_scoped3A_12[%rem3A_297, %dma_wait3A_437, %dma_wait3A_438] : memref<2x128x128xf32, #tpu.memory_space<vmem>> -> memref<1x128x128xf32, #tpu.memory_space<vmem>>
          %dma_wait3A_440 = tpu.memref_squeeze %dma_wait3A_439 : memref<1x128x128xf32, #tpu.memory_space<vmem>> -> memref<128x128xf32, #tpu.memory_space<vmem>>
          %dma_wait3A_441 = arith.constant 0 : i32
          %dma_wait3A_442 = arith.constant 0 : i32
          %dma_wait3A_443 = tpu.memref_slice %run_scoped3A_8[%rem3A_293, %dma_wait3A_441, %dma_wait3A_442] : memref<2x1x128xi32, #tpu.memory_space<vmem>> -> memref<1x1x128xi32, #tpu.memory_space<vmem>>
          %dma_wait3A_444 = tpu.memref_squeeze %dma_wait3A_443 : memref<1x1x128xi32, #tpu.memory_space<vmem>> -> memref<1x128xi32, #tpu.memory_space<vmem>>
          %dma_wait3A_445 = arith.constant 0 : i32
          %dma_wait3A_446 = tpu.memref_slice %dma_wait3A_444[%run_scoped3A_299, %dma_wait3A_445] : memref<1x128xi32, #tpu.memory_space<vmem>> -> memref<1x128xi32, #tpu.memory_space<vmem>>
          %dma_wait3A_447 = tpu.memref_squeeze %dma_wait3A_446 : memref<1x128xi32, #tpu.memory_space<vmem>> -> memref<128xi32, #tpu.memory_space<vmem>>
          %dma_wait3A_448 = arith.constant 0 : i32
          %dma_wait3A_449 = arith.constant 0 : i32
          %dma_wait3A_450 = tpu.memref_slice %arg3[%dma_wait3A_448, %dma_wait3A_449] : memref<10000x128xf32, #tpu.memory_space<hbm>> -> memref<10000x128xf32, #tpu.memory_space<hbm>>
          tpu.wait_indirect_dma semaphore(%run_scoped3A_422 : memref<!tpu.dma_semaphore, #tpu.memory_space<semaphore_mem>>) src(%dma_wait3A_450 : memref<10000x128xf32, #tpu.memory_space<hbm>>) dst(%dma_wait3A_440 : memref<128x128xf32, #tpu.memory_space<vmem>>)
          tpu.yield
        }) : () -> ()
        "tpu.trace_stop"() : () -> ()
        %ne3A_300 = arith.cmpi ne, %add3A_185, %add3A_203 : i32
        %or3A_301 = arith.constant false
        %or3A_302 = arith.ori %or3A_301, %ne3A_300 : i1
        %or3A_303 = arith.ori %or3A_302, %eq3A_184 : i1
        %convert_element_type3A_304 = arith.extui %or3A_303 : i1 to i32
        %cond3A_305 = arith.constant 0 : i32
        %cond3A_306 = arith.cmpi ne, %convert_element_type3A_304, %cond3A_305 : i32
        scf.if %cond3A_306 {
        } else {
        }
        %and3A_307 = arith.constant false
        %and3A_308 = arith.andi %or3A_303, %and3A_307 : i1
        %ne3A_309 = arith.cmpi ne, %add3A_185, %add3A_203 : i32
        %or3A_310 = arith.constant false
        %or3A_311 = arith.ori %or3A_310, %ne3A_309 : i1
        %or3A_312 = arith.ori %or3A_311, %eq3A_184 : i1
        %convert_element_type3A_313 = arith.extui %or3A_312 : i1 to i32
        %cond3A_314 = arith.constant 0 : i32
        %cond3A_315 = arith.cmpi ne, %convert_element_type3A_313, %cond3A_314 : i32
        scf.if %cond3A_315 {
        } else {
        }
        %and3A_316 = arith.constant false
        %and3A_317 = arith.andi %or3A_312, %and3A_316 : i1
        %ne3A_318 = arith.cmpi ne, %add3A_185, %add3A_203 : i32
        %or3A_319 = arith.constant false
        %or3A_320 = arith.ori %or3A_319, %ne3A_318 : i1
        %or3A_321 = arith.constant false
        %or3A_322 = arith.ori %or3A_320, %or3A_321 : i1
        %or3A_323 = arith.ori %or3A_322, %eq3A_184 : i1
        %convert_element_type3A_324 = arith.extui %or3A_323 : i1 to i32
        %cond3A_325 = arith.constant 0 : i32
        %cond3A_326 = arith.cmpi ne, %convert_element_type3A_324, %cond3A_325 : i32
        scf.if %cond3A_326 {
          "tpu.trace_start"() <{level = 10 : i32, message = "ep_copy_out"}> : () -> ()
          %rem3A_422 = arith.constant 2 : i32
          %rem3A_423 = arith.remui %scan3A_176, %rem3A_422 : i32
          %mul3A_424 = arith.constant 128 : i32
          %mul3A_425 = arith.muli %mul3A_424, %add3A_185 : i32
          %dma_start3A_426 = arith.constant 0 : i32
          %dma_start3A_427 = arith.constant 0 : i32
          %dma_start3A_428 = tpu.memref_slice %run_scoped3A_10[%rem3A_423, %dma_start3A_426, %dma_start3A_427] : memref<2x128x128xf32, #tpu.memory_space<vmem>> -> memref<1x128x128xf32, #tpu.memory_space<vmem>>
          %dma_start3A_429 = tpu.memref_squeeze %dma_start3A_428 : memref<1x128x128xf32, #tpu.memory_space<vmem>> -> memref<128x128xf32, #tpu.memory_space<vmem>>
          %dma_start3A_430 = arith.constant 0 : i32
          %dma_start3A_431 = tpu.memref_slice %arg6[%mul3A_425, %dma_start3A_430] : memref<323584x128xf32, #tpu.memory_space<hbm>> -> memref<128x128xf32, #tpu.memory_space<hbm>>
          %dma_start3A_432 = tpu.memref_slice %run_scoped3A_11[%rem3A_423] : memref<2x!tpu.dma_semaphore, #tpu.memory_space<semaphore_mem>> -> memref<1x!tpu.dma_semaphore, #tpu.memory_space<semaphore_mem>>
          %dma_start3A_433 = tpu.memref_squeeze %dma_start3A_432 : memref<1x!tpu.dma_semaphore, #tpu.memory_space<semaphore_mem>> -> memref<!tpu.dma_semaphore, #tpu.memory_space<semaphore_mem>>
          %dma_start3A_434 = arith.constant 0 : i32
          %dma_start3A_435 = tpu.memref_slice %arg6[%mul3A_425, %dma_start3A_434] : memref<323584x128xf32, #tpu.memory_space<hbm>> -> memref<128x128xf32, #tpu.memory_space<hbm>>
          %dma_start3A_436 = arith.constant 0 : i32
          %dma_start3A_437 = arith.constant 0 : i32
          %dma_start3A_438 = tpu.memref_slice %run_scoped3A_10[%rem3A_423, %dma_start3A_436, %dma_start3A_437] : memref<2x128x128xf32, #tpu.memory_space<vmem>> -> memref<1x128x128xf32, #tpu.memory_space<vmem>>
          %dma_start3A_439 = tpu.memref_squeeze %dma_start3A_438 : memref<1x128x128xf32, #tpu.memory_space<vmem>> -> memref<128x128xf32, #tpu.memory_space<vmem>>
          tpu.enqueue_dma source(%dma_start3A_439 : memref<128x128xf32, #tpu.memory_space<vmem>>) target(%dma_start3A_435 : memref<128x128xf32, #tpu.memory_space<hbm>>) target_semaphore(%dma_start3A_433 : memref<!tpu.dma_semaphore, #tpu.memory_space<semaphore_mem>>)
          "tpu.trace_stop"() : () -> ()
        } else {
        }
        %and3A_327 = arith.constant true
        %and3A_328 = arith.andi %or3A_323, %and3A_327 : i1
        %add3A_329 = arith.constant 1 : i32
        %add3A_330 = arith.addi %scan3A_176, %add3A_329 : i32
        %select_n3A_331 = arith.select %and3A_328, %add3A_330, %scan3A_176 : i32
        %ne3A_332 = arith.cmpi ne, %add3A_185, %add3A_203 : i32
        %or3A_333 = arith.constant false
        %or3A_334 = arith.ori %or3A_333, %ne3A_332 : i1
        %or3A_335 = arith.constant false
        %or3A_336 = arith.ori %or3A_334, %or3A_335 : i1
        %or3A_337 = arith.ori %or3A_336, %eq3A_184 : i1
        %convert_element_type3A_338 = arith.extui %or3A_337 : i1 to i32
        %cond3A_339 = arith.constant 0 : i32
        %cond3A_340 = arith.cmpi ne, %convert_element_type3A_338, %cond3A_339 : i32
        scf.if %cond3A_340 {
          "tpu.trace_start"() <{level = 10 : i32, message = "ep_copy_out"}> : () -> ()
          %rem3A_422 = arith.constant 2 : i32
          %rem3A_423 = arith.remui %scan3A_178, %rem3A_422 : i32
          %mul3A_424 = arith.constant 128 : i32
          %mul3A_425 = arith.muli %mul3A_424, %add3A_185 : i32
          %dma_start3A_426 = arith.constant 0 : i32
          %dma_start3A_427 = arith.constant 0 : i32
          %dma_start3A_428 = tpu.memref_slice %run_scoped3A_12[%rem3A_423, %dma_start3A_426, %dma_start3A_427] : memref<2x128x128xf32, #tpu.memory_space<vmem>> -> memref<1x128x128xf32, #tpu.memory_space<vmem>>
          %dma_start3A_429 = tpu.memref_squeeze %dma_start3A_428 : memref<1x128x128xf32, #tpu.memory_space<vmem>> -> memref<128x128xf32, #tpu.memory_space<vmem>>
          %dma_start3A_430 = arith.constant 0 : i32
          %dma_start3A_431 = tpu.memref_slice %arg7[%mul3A_425, %dma_start3A_430] : memref<323584x128xf32, #tpu.memory_space<hbm>> -> memref<128x128xf32, #tpu.memory_space<hbm>>
          %dma_start3A_432 = tpu.memref_slice %run_scoped3A_13[%rem3A_423] : memref<2x!tpu.dma_semaphore, #tpu.memory_space<semaphore_mem>> -> memref<1x!tpu.dma_semaphore, #tpu.memory_space<semaphore_mem>>
          %dma_start3A_433 = tpu.memref_squeeze %dma_start3A_432 : memref<1x!tpu.dma_semaphore, #tpu.memory_space<semaphore_mem>> -> memref<!tpu.dma_semaphore, #tpu.memory_space<semaphore_mem>>
          %dma_start3A_434 = arith.constant 0 : i32
          %dma_start3A_435 = tpu.memref_slice %arg7[%mul3A_425, %dma_start3A_434] : memref<323584x128xf32, #tpu.memory_space<hbm>> -> memref<128x128xf32, #tpu.memory_space<hbm>>
          %dma_start3A_436 = arith.constant 0 : i32
          %dma_start3A_437 = arith.constant 0 : i32
          %dma_start3A_438 = tpu.memref_slice %run_scoped3A_12[%rem3A_423, %dma_start3A_436, %dma_start3A_437] : memref<2x128x128xf32, #tpu.memory_space<vmem>> -> memref<1x128x128xf32, #tpu.memory_space<vmem>>
          %dma_start3A_439 = tpu.memref_squeeze %dma_start3A_438 : memref<1x128x128xf32, #tpu.memory_space<vmem>> -> memref<128x128xf32, #tpu.memory_space<vmem>>
          tpu.enqueue_dma source(%dma_start3A_439 : memref<128x128xf32, #tpu.memory_space<vmem>>) target(%dma_start3A_435 : memref<128x128xf32, #tpu.memory_space<hbm>>) target_semaphore(%dma_start3A_433 : memref<!tpu.dma_semaphore, #tpu.memory_space<semaphore_mem>>)
          "tpu.trace_stop"() : () -> ()
        } else {
        }
        %and3A_341 = arith.constant true
        %and3A_342 = arith.andi %or3A_337, %and3A_341 : i1
        %add3A_343 = arith.constant 1 : i32
        %add3A_344 = arith.addi %scan3A_178, %add3A_343 : i32
        %select_n3A_345 = arith.select %and3A_342, %add3A_344, %scan3A_178 : i32
        %ne3A_346 = arith.cmpi ne, %add3A_185, %add3A_194 : i32
        %or3A_347 = arith.constant false
        %or3A_348 = arith.ori %or3A_347, %ne3A_346 : i1
        %not3A_349 = arith.constant true
        %not3A_350 = arith.xori %eq3A_182, %not3A_349 : i1
        %and3A_351 = arith.andi %or3A_348, %not3A_350 : i1
        %convert_element_type3A_352 = arith.extui %and3A_351 : i1 to i32
        %cond3A_353 = arith.constant 0 : i32
        %cond3A_354 = arith.cmpi ne, %convert_element_type3A_352, %cond3A_353 : i32
        scf.if %cond3A_354 {
        } else {
        }
        %and3A_355 = arith.constant false
        %and3A_356 = arith.andi %and3A_351, %and3A_355 : i1
        %ne3A_357 = arith.cmpi ne, %add3A_185, %add3A_194 : i32
        %or3A_358 = arith.constant false
        %or3A_359 = arith.ori %or3A_358, %ne3A_357 : i1
        %not3A_360 = arith.constant true
        %not3A_361 = arith.xori %eq3A_182, %not3A_360 : i1
        %and3A_362 = arith.andi %or3A_359, %not3A_361 : i1
        %convert_element_type3A_363 = arith.extui %and3A_362 : i1 to i32
        %cond3A_364 = arith.constant 0 : i32
        %cond3A_365 = arith.cmpi ne, %convert_element_type3A_363, %cond3A_364 : i32
        scf.if %cond3A_365 {
        } else {
        }
        %and3A_366 = arith.constant false
        %and3A_367 = arith.andi %and3A_362, %and3A_366 : i1
        %ne3A_368 = arith.cmpi ne, %add3A_185, %add3A_194 : i32
        %or3A_369 = arith.constant false
        %or3A_370 = arith.ori %or3A_369, %ne3A_368 : i1
        %or3A_371 = arith.constant false
        %or3A_372 = arith.ori %or3A_370, %or3A_371 : i1
        %not3A_373 = arith.constant true
        %not3A_374 = arith.xori %eq3A_182, %not3A_373 : i1
        %and3A_375 = arith.andi %or3A_372, %not3A_374 : i1
        %convert_element_type3A_376 = arith.extui %and3A_375 : i1 to i32
        %cond3A_377 = arith.constant 0 : i32
        %cond3A_378 = arith.cmpi ne, %convert_element_type3A_376, %cond3A_377 : i32
        scf.if %cond3A_378 {
          "tpu.trace_start"() <{level = 10 : i32, message = "ep_wait_out"}> : () -> ()
          %rem3A_422 = arith.constant 2 : i32
          %rem3A_423 = arith.remui %scan3A_177, %rem3A_422 : i32
          %mul3A_424 = arith.constant 128 : i32
          %mul3A_425 = arith.muli %mul3A_424, %add3A_194 : i32
          %dma_wait3A_426 = arith.constant 0 : i32
          %dma_wait3A_427 = arith.constant 0 : i32
          %dma_wait3A_428 = tpu.memref_slice %run_scoped3A_10[%rem3A_423, %dma_wait3A_426, %dma_wait3A_427] : memref<2x128x128xf32, #tpu.memory_space<vmem>> -> memref<1x128x128xf32, #tpu.memory_space<vmem>>
          %dma_wait3A_429 = tpu.memref_squeeze %dma_wait3A_428 : memref<1x128x128xf32, #tpu.memory_space<vmem>> -> memref<128x128xf32, #tpu.memory_space<vmem>>
          %dma_wait3A_430 = arith.constant 0 : i32
          %dma_wait3A_431 = tpu.memref_slice %arg6[%mul3A_425, %dma_wait3A_430] : memref<323584x128xf32, #tpu.memory_space<hbm>> -> memref<128x128xf32, #tpu.memory_space<hbm>>
          %dma_wait3A_432 = tpu.memref_slice %run_scoped3A_11[%rem3A_423] : memref<2x!tpu.dma_semaphore, #tpu.memory_space<semaphore_mem>> -> memref<1x!tpu.dma_semaphore, #tpu.memory_space<semaphore_mem>>
          %dma_wait3A_433 = tpu.memref_squeeze %dma_wait3A_432 : memref<1x!tpu.dma_semaphore, #tpu.memory_space<semaphore_mem>> -> memref<!tpu.dma_semaphore, #tpu.memory_space<semaphore_mem>>
          %dma_wait3A_434 = arith.constant 0 : i32
          %dma_wait3A_435 = tpu.memref_slice %arg6[%mul3A_425, %dma_wait3A_434] : memref<323584x128xf32, #tpu.memory_space<hbm>> -> memref<128x128xf32, #tpu.memory_space<hbm>>
          %dma_wait3A_436 = arith.constant 0 : i32
          %dma_wait3A_437 = arith.constant 0 : i32
          %dma_wait3A_438 = tpu.memref_slice %run_scoped3A_10[%rem3A_423, %dma_wait3A_436, %dma_wait3A_437] : memref<2x128x128xf32, #tpu.memory_space<vmem>> -> memref<1x128x128xf32, #tpu.memory_space<vmem>>
          %dma_wait3A_439 = tpu.memref_squeeze %dma_wait3A_438 : memref<1x128x128xf32, #tpu.memory_space<vmem>> -> memref<128x128xf32, #tpu.memory_space<vmem>>
          tpu.wait_dma2 semaphore(%dma_wait3A_433 : memref<!tpu.dma_semaphore, #tpu.memory_space<semaphore_mem>>) src(%dma_wait3A_439 : memref<128x128xf32, #tpu.memory_space<vmem>>) dst(%dma_wait3A_435 : memref<128x128xf32, #tpu.memory_space<hbm>>)
          "tpu.trace_stop"() : () -> ()
        } else {
        }
        %and3A_379 = arith.constant true
        %and3A_380 = arith.andi %and3A_375, %and3A_379 : i1
        %add3A_381 = arith.constant 1 : i32
        %add3A_382 = arith.addi %scan3A_177, %add3A_381 : i32
        %select_n3A_383 = arith.select %and3A_380, %add3A_382, %scan3A_177 : i32
        %ne3A_384 = arith.cmpi ne, %add3A_185, %add3A_194 : i32
        %or3A_385 = arith.constant false
        %or3A_386 = arith.ori %or3A_385, %ne3A_384 : i1
        %or3A_387 = arith.constant false
        %or3A_388 = arith.ori %or3A_386, %or3A_387 : i1
        %not3A_389 = arith.constant true
        %not3A_390 = arith.xori %eq3A_182, %not3A_389 : i1
        %and3A_391 = arith.andi %or3A_388, %not3A_390 : i1
        %convert_element_type3A_392 = arith.extui %and3A_391 : i1 to i32
        %cond3A_393 = arith.constant 0 : i32
        %cond3A_394 = arith.cmpi ne, %convert_element_type3A_392, %cond3A_393 : i32
        scf.if %cond3A_394 {
          "tpu.trace_start"() <{level = 10 : i32, message = "ep_wait_out"}> : () -> ()
          %rem3A_422 = arith.constant 2 : i32
          %rem3A_423 = arith.remui %scan3A_179, %rem3A_422 : i32
          %mul3A_424 = arith.constant 128 : i32
          %mul3A_425 = arith.muli %mul3A_424, %add3A_194 : i32
          %dma_wait3A_426 = arith.constant 0 : i32
          %dma_wait3A_427 = arith.constant 0 : i32
          %dma_wait3A_428 = tpu.memref_slice %run_scoped3A_12[%rem3A_423, %dma_wait3A_426, %dma_wait3A_427] : memref<2x128x128xf32, #tpu.memory_space<vmem>> -> memref<1x128x128xf32, #tpu.memory_space<vmem>>
          %dma_wait3A_429 = tpu.memref_squeeze %dma_wait3A_428 : memref<1x128x128xf32, #tpu.memory_space<vmem>> -> memref<128x128xf32, #tpu.memory_space<vmem>>
          %dma_wait3A_430 = arith.constant 0 : i32
          %dma_wait3A_431 = tpu.memref_slice %arg7[%mul3A_425, %dma_wait3A_430] : memref<323584x128xf32, #tpu.memory_space<hbm>> -> memref<128x128xf32, #tpu.memory_space<hbm>>
          %dma_wait3A_432 = tpu.memref_slice %run_scoped3A_13[%rem3A_423] : memref<2x!tpu.dma_semaphore, #tpu.memory_space<semaphore_mem>> -> memref<1x!tpu.dma_semaphore, #tpu.memory_space<semaphore_mem>>
          %dma_wait3A_433 = tpu.memref_squeeze %dma_wait3A_432 : memref<1x!tpu.dma_semaphore, #tpu.memory_space<semaphore_mem>> -> memref<!tpu.dma_semaphore, #tpu.memory_space<semaphore_mem>>
          %dma_wait3A_434 = arith.constant 0 : i32
          %dma_wait3A_435 = tpu.memref_slice %arg7[%mul3A_425, %dma_wait3A_434] : memref<323584x128xf32, #tpu.memory_space<hbm>> -> memref<128x128xf32, #tpu.memory_space<hbm>>
          %dma_wait3A_436 = arith.constant 0 : i32
          %dma_wait3A_437 = arith.constant 0 : i32
          %dma_wait3A_438 = tpu.memref_slice %run_scoped3A_12[%rem3A_423, %dma_wait3A_436, %dma_wait3A_437] : memref<2x128x128xf32, #tpu.memory_space<vmem>> -> memref<1x128x128xf32, #tpu.memory_space<vmem>>
          %dma_wait3A_439 = tpu.memref_squeeze %dma_wait3A_438 : memref<1x128x128xf32, #tpu.memory_space<vmem>> -> memref<128x128xf32, #tpu.memory_space<vmem>>
          tpu.wait_dma2 semaphore(%dma_wait3A_433 : memref<!tpu.dma_semaphore, #tpu.memory_space<semaphore_mem>>) src(%dma_wait3A_439 : memref<128x128xf32, #tpu.memory_space<vmem>>) dst(%dma_wait3A_435 : memref<128x128xf32, #tpu.memory_space<hbm>>)
          "tpu.trace_stop"() : () -> ()
        } else {
        }
        %and3A_395 = arith.constant true
        %and3A_396 = arith.andi %and3A_391, %and3A_395 : i1
        %add3A_397 = arith.constant 1 : i32
        %add3A_398 = arith.addi %scan3A_179, %add3A_397 : i32
        %select_n3A_399 = arith.select %and3A_396, %add3A_398, %scan3A_179 : i32
        %ne3A_400 = arith.cmpi ne, %add3A_185, %add3A_203 : i32
        %or3A_401 = arith.constant false
        %or3A_402 = arith.ori %or3A_401, %ne3A_400 : i1
        %or3A_403 = arith.ori %or3A_402, %eq3A_184 : i1
        %add3A_404 = arith.constant 1 : i32
        %add3A_405 = arith.addi %scan3A_173, %add3A_404 : i32
        %select_n3A_406 = arith.select %or3A_403, %add3A_405, %scan3A_173 : i32
        %ne3A_407 = arith.cmpi ne, %add3A_185, %add3A_203 : i32
        %or3A_408 = arith.constant false
        %or3A_409 = arith.ori %or3A_408, %ne3A_407 : i1
        %or3A_410 = arith.ori %or3A_409, %eq3A_184 : i1
        %add3A_411 = arith.constant 1 : i32
        %add3A_412 = arith.addi %scan3A_175, %add3A_411 : i32
        %select_n3A_413 = arith.select %or3A_410, %add3A_412, %scan3A_175 : i32
        %add3A_414 = arith.constant 1 : i32
        %add3A_415 = arith.addi %scan3A_180, %add3A_414 : i32
        %select_n3A_416 = arith.constant true
        %select_n3A_417 = arith.select %select_n3A_416, %add3A_415, %scan3A_180 : i32
        %eq3A_418 = arith.constant 79 : i32
        %eq3A_419 = arith.cmpi eq, %select_n3A_417, %eq3A_418 : i32
        %select_n3A_420 = arith.constant 0 : i32
        %select_n3A_421 = arith.select %eq3A_419, %select_n3A_420, %select_n3A_417 : i32
        scf.yield %select_n3A_221, %select_n3A_406, %select_n3A_237, %select_n3A_413, %select_n3A_331, %select_n3A_383, %select_n3A_345, %select_n3A_399, %select_n3A_421 : i32, i32, i32, i32, i32, i32, i32, i32, i32
      }
      %scan3A_100 = arith.constant 79 : i32
      %sub3A = arith.constant 1 : i32
      %sub3A_101 = arith.subi %scan3A_99#8, %sub3A : i32
      %select_n3A_102 = arith.constant true
      %select_n3A_103 = arith.select %select_n3A_102, %sub3A_101, %scan3A_99#8 : i32
      %eq3A_104 = arith.constant -1 : i32
      %eq3A_105 = arith.cmpi eq, %select_n3A_103, %eq3A_104 : i32
      %select_n3A_106 = arith.constant 78 : i32
      %select_n3A_107 = arith.select %eq3A_105, %select_n3A_106, %select_n3A_103 : i32
      %add3A_108 = arith.addi %select_n3A_107, %mul3A_6 : i32
      %sub3A_109 = arith.constant 1 : i32
      %sub3A_110 = arith.subi %select_n3A_107, %sub3A_109 : i32
      %select_n3A_111 = arith.constant true
      %select_n3A_112 = arith.select %select_n3A_111, %sub3A_110, %select_n3A_107 : i32
      %eq3A_113 = arith.constant -1 : i32
      %eq3A_114 = arith.cmpi eq, %select_n3A_112, %eq3A_113 : i32
      %select_n3A_115 = arith.constant 78 : i32
      %select_n3A_116 = arith.select %eq3A_114, %select_n3A_115, %select_n3A_112 : i32
      %add3A_117 = arith.addi %select_n3A_116, %mul3A_6 : i32
      %add3A_118 = arith.constant 1 : i32
      %add3A_119 = arith.addi %select_n3A_107, %add3A_118 : i32
      %select_n3A_120 = arith.constant true
      %select_n3A_121 = arith.select %select_n3A_120, %add3A_119, %select_n3A_107 : i32
      %eq3A_122 = arith.constant 79 : i32
      %eq3A_123 = arith.cmpi eq, %select_n3A_121, %eq3A_122 : i32
      %select_n3A_124 = arith.constant 0 : i32
      %select_n3A_125 = arith.select %eq3A_123, %select_n3A_124, %select_n3A_121 : i32
      %add3A_126 = arith.addi %select_n3A_125, %mul3A_6 : i32
      %add3A_127 = arith.constant 1 : i32
      %add3A_128 = arith.addi %select_n3A_125, %add3A_127 : i32
      %select_n3A_129 = arith.constant true
      %select_n3A_130 = arith.select %select_n3A_129, %add3A_128, %select_n3A_125 : i32
      %eq3A_131 = arith.constant 79 : i32
      %eq3A_132 = arith.cmpi eq, %select_n3A_130, %eq3A_131 : i32
      %select_n3A_133 = arith.constant 0 : i32
      %select_n3A_134 = arith.select %eq3A_132, %select_n3A_133, %select_n3A_130 : i32
      %add3A_135 = arith.addi %select_n3A_134, %mul3A_6 : i32
      "tpu.trace_start"() <{level = 10 : i32, message = "ep_finalize"}> : () -> ()
      %rem3A_136 = arith.constant 2 : i32
      %rem3A_137 = arith.remui %scan3A_99#5, %rem3A_136 : i32
      %mul3A_138 = arith.constant 128 : i32
      %mul3A_139 = arith.muli %mul3A_138, %add3A_108 : i32
      %dma_wait3A = arith.constant 0 : i32
      %dma_wait3A_140 = arith.constant 0 : i32
      %dma_wait3A_141 = tpu.memref_slice %run_scoped3A_10[%rem3A_137, %dma_wait3A, %dma_wait3A_140] : memref<2x128x128xf32, #tpu.memory_space<vmem>> -> memref<1x128x128xf32, #tpu.memory_space<vmem>>
      %dma_wait3A_142 = tpu.memref_squeeze %dma_wait3A_141 : memref<1x128x128xf32, #tpu.memory_space<vmem>> -> memref<128x128xf32, #tpu.memory_space<vmem>>
      %dma_wait3A_143 = arith.constant 0 : i32
      %dma_wait3A_144 = tpu.memref_slice %arg6[%mul3A_139, %dma_wait3A_143] : memref<323584x128xf32, #tpu.memory_space<hbm>> -> memref<128x128xf32, #tpu.memory_space<hbm>>
      %dma_wait3A_145 = tpu.memref_slice %run_scoped3A_11[%rem3A_137] : memref<2x!tpu.dma_semaphore, #tpu.memory_space<semaphore_mem>> -> memref<1x!tpu.dma_semaphore, #tpu.memory_space<semaphore_mem>>
      %dma_wait3A_146 = tpu.memref_squeeze %dma_wait3A_145 : memref<1x!tpu.dma_semaphore, #tpu.memory_space<semaphore_mem>> -> memref<!tpu.dma_semaphore, #tpu.memory_space<semaphore_mem>>
      %dma_wait3A_147 = arith.constant 0 : i32
      %dma_wait3A_148 = tpu.memref_slice %arg6[%mul3A_139, %dma_wait3A_147] : memref<323584x128xf32, #tpu.memory_space<hbm>> -> memref<128x128xf32, #tpu.memory_space<hbm>>
      %dma_wait3A_149 = arith.constant 0 : i32
      %dma_wait3A_150 = arith.constant 0 : i32
      %dma_wait3A_151 = tpu.memref_slice %run_scoped3A_10[%rem3A_137, %dma_wait3A_149, %dma_wait3A_150] : memref<2x128x128xf32, #tpu.memory_space<vmem>> -> memref<1x128x128xf32, #tpu.memory_space<vmem>>
      %dma_wait3A_152 = tpu.memref_squeeze %dma_wait3A_151 : memref<1x128x128xf32, #tpu.memory_space<vmem>> -> memref<128x128xf32, #tpu.memory_space<vmem>>
      tpu.wait_dma2 semaphore(%dma_wait3A_146 : memref<!tpu.dma_semaphore, #tpu.memory_space<semaphore_mem>>) src(%dma_wait3A_152 : memref<128x128xf32, #tpu.memory_space<vmem>>) dst(%dma_wait3A_148 : memref<128x128xf32, #tpu.memory_space<hbm>>)
      %rem3A_153 = arith.constant 2 : i32
      %rem3A_154 = arith.remui %scan3A_99#7, %rem3A_153 : i32
      %mul3A_155 = arith.constant 128 : i32
      %mul3A_156 = arith.muli %mul3A_155, %add3A_108 : i32
      %dma_wait3A_157 = arith.constant 0 : i32
      %dma_wait3A_158 = arith.constant 0 : i32
      %dma_wait3A_159 = tpu.memref_slice %run_scoped3A_12[%rem3A_154, %dma_wait3A_157, %dma_wait3A_158] : memref<2x128x128xf32, #tpu.memory_space<vmem>> -> memref<1x128x128xf32, #tpu.memory_space<vmem>>
      %dma_wait3A_160 = tpu.memref_squeeze %dma_wait3A_159 : memref<1x128x128xf32, #tpu.memory_space<vmem>> -> memref<128x128xf32, #tpu.memory_space<vmem>>
      %dma_wait3A_161 = arith.constant 0 : i32
      %dma_wait3A_162 = tpu.memref_slice %arg7[%mul3A_156, %dma_wait3A_161] : memref<323584x128xf32, #tpu.memory_space<hbm>> -> memref<128x128xf32, #tpu.memory_space<hbm>>
      %dma_wait3A_163 = tpu.memref_slice %run_scoped3A_13[%rem3A_154] : memref<2x!tpu.dma_semaphore, #tpu.memory_space<semaphore_mem>> -> memref<1x!tpu.dma_semaphore, #tpu.memory_space<semaphore_mem>>
      %dma_wait3A_164 = tpu.memref_squeeze %dma_wait3A_163 : memref<1x!tpu.dma_semaphore, #tpu.memory_space<semaphore_mem>> -> memref<!tpu.dma_semaphore, #tpu.memory_space<semaphore_mem>>
      %dma_wait3A_165 = arith.constant 0 : i32
      %dma_wait3A_166 = tpu.memref_slice %arg7[%mul3A_156, %dma_wait3A_165] : memref<323584x128xf32, #tpu.memory_space<hbm>> -> memref<128x128xf32, #tpu.memory_space<hbm>>
      %dma_wait3A_167 = arith.constant 0 : i32
      %dma_wait3A_168 = arith.constant 0 : i32
      %dma_wait3A_169 = tpu.memref_slice %run_scoped3A_12[%rem3A_154, %dma_wait3A_167, %dma_wait3A_168] : memref<2x128x128xf32, #tpu.memory_space<vmem>> -> memref<1x128x128xf32, #tpu.memory_space<vmem>>
      %dma_wait3A_170 = tpu.memref_squeeze %dma_wait3A_169 : memref<1x128x128xf32, #tpu.memory_space<vmem>> -> memref<128x128xf32, #tpu.memory_space<vmem>>
      tpu.wait_dma2 semaphore(%dma_wait3A_164 : memref<!tpu.dma_semaphore, #tpu.memory_space<semaphore_mem>>) src(%dma_wait3A_170 : memref<128x128xf32, #tpu.memory_space<vmem>>) dst(%dma_wait3A_166 : memref<128x128xf32, #tpu.memory_space<hbm>>)
      "tpu.trace_stop"() : () -> ()
      tpu.yield
    }) : () -> ()
    return
  }
}

#map = affine_map<(d0, d1) -> (0)>
#map1 = affine_map<(d0, d1) -> (0, 0)>
module attributes {stable_mosaic.version = 14 : i64} {
  func.func @sk(%arg0: i32, %arg1: i32, %arg2: memref<323584xi32, #tpu.memory_space<hbm>>, %arg3: memref<320000x128xf32, #tpu.memory_space<hbm>>, %arg4: memref<320000x128xf32, #tpu.memory_space<hbm>>, %arg5: memref<128x128xf32, #tpu.memory_space<hbm>>, %arg6: memref<20480x128xf32, #tpu.memory_space<hbm>>, %arg7: memref<20480x128xf32, #tpu.memory_space<hbm>>, %arg8: memref<128xi32, #tpu.memory_space<vmem>>, %arg9: memref<128x128xf32, #tpu.memory_space<vmem>>, %arg10: memref<10240x128xf32, #tpu.memory_space<vmem_shared>>) attributes {dimension_semantics = [#tpu.dimension_semantics<core_parallel>, #tpu.dimension_semantics<subcore_parallel>], iteration_bounds = array<i64: 2, 16>, scalar_prefetch = 0 : i64, scratch_operands = 3 : i64, tpu.core_type = #tpu.core_type<sc_vector_subcore>, window_params = [{transform_indices = #map}, {transform_indices = #map1}, {transform_indices = #map1}, {transform_indices = #map1}, {transform_indices = #map1}, {transform_indices = #map1}]} {
    %mul3A = arith.constant 16 : i32
    %mul3A_0 = arith.muli %arg0, %mul3A : i32
    %add3A = arith.addi %mul3A_0, %arg1 : i32
    %mul3A_1 = arith.constant 640 : i32
    %mul3A_2 = arith.muli %arg1, %mul3A_1 : i32
    %multiple_of3A = tpu.assume_multiple %mul3A_2, 8 : i32
    "tpu.region"() ({
      %run_scoped3A = tpu.sem_alloc : memref<!tpu.dma_semaphore, #tpu.memory_space<semaphore_mem>>
      tpu.enqueue_dma source(%arg5 : memref<128x128xf32, #tpu.memory_space<hbm>>) target(%arg9 : memref<128x128xf32, #tpu.memory_space<vmem>>) target_semaphore(%run_scoped3A : memref<!tpu.dma_semaphore, #tpu.memory_space<semaphore_mem>>)
      tpu.wait_dma2 semaphore(%run_scoped3A : memref<!tpu.dma_semaphore, #tpu.memory_space<semaphore_mem>>) src(%arg5 : memref<128x128xf32, #tpu.memory_space<hbm>>) dst(%arg9 : memref<128x128xf32, #tpu.memory_space<vmem>>)
      tpu.yield
    }) : () -> ()
    %scan3A = arith.constant 0 : i32
    %scan3A_3 = arith.constant 5 : i32
    %scan3A_4 = arith.addi %scan3A, %scan3A_3 : i32
    %scan3A_5 = arith.constant 1 : i32
    scf.for %scan3A_35 = %scan3A to %scan3A_4 step %scan3A_5  : i32 {
      %mul3A_36 = arith.constant 1 : i32
      %mul3A_37 = arith.muli %scan3A_35, %mul3A_36 : i32
      %add3A_38 = arith.constant 0 : i32
      %add3A_39 = arith.addi %add3A_38, %mul3A_37 : i32
      %mul3A_40 = arith.constant 128 : i32
      %mul3A_41 = arith.muli %add3A_39, %mul3A_40 : i32
      %add3A_42 = arith.addi %multiple_of3A, %mul3A_41 : i32
      %multiple_of3A_43 = tpu.assume_multiple %add3A_42, 8 : i32
      "tpu.region"() ({
        %run_scoped3A = tpu.sem_alloc : memref<!tpu.dma_semaphore, #tpu.memory_space<semaphore_mem>>
        %dma_start3A = arith.constant 0 : i32
        %dma_start3A_44 = tpu.memref_slice %arg10[%multiple_of3A_43, %dma_start3A] : memref<10240x128xf32, #tpu.memory_space<vmem_shared>> -> memref<128x128xf32, #tpu.memory_space<vmem_shared>>
        %dma_start3A_45 = arith.constant 0 : i32
        %dma_start3A_46 = tpu.memref_slice %arg10[%multiple_of3A_43, %dma_start3A_45] : memref<10240x128xf32, #tpu.memory_space<vmem_shared>> -> memref<128x128xf32, #tpu.memory_space<vmem_shared>>
        tpu.enqueue_dma source(%arg9 : memref<128x128xf32, #tpu.memory_space<vmem>>) target(%dma_start3A_46 : memref<128x128xf32, #tpu.memory_space<vmem_shared>>) target_semaphore(%run_scoped3A : memref<!tpu.dma_semaphore, #tpu.memory_space<semaphore_mem>>)
        %dma_wait3A = arith.constant 0 : i32
        %dma_wait3A_47 = tpu.memref_slice %arg10[%multiple_of3A_43, %dma_wait3A] : memref<10240x128xf32, #tpu.memory_space<vmem_shared>> -> memref<128x128xf32, #tpu.memory_space<vmem_shared>>
        %dma_wait3A_48 = arith.constant 0 : i32
        %dma_wait3A_49 = tpu.memref_slice %arg10[%multiple_of3A_43, %dma_wait3A_48] : memref<10240x128xf32, #tpu.memory_space<vmem_shared>> -> memref<128x128xf32, #tpu.memory_space<vmem_shared>>
        tpu.wait_dma2 semaphore(%run_scoped3A : memref<!tpu.dma_semaphore, #tpu.memory_space<semaphore_mem>>) src(%arg9 : memref<128x128xf32, #tpu.memory_space<vmem>>) dst(%dma_wait3A_49 : memref<128x128xf32, #tpu.memory_space<vmem_shared>>)
        tpu.yield
      }) : () -> ()
    }
    %scan3A_6 = arith.constant 5 : i32
    %barrier3A = arith.constant 0 : index
    tpu.barrier barrier_id(%barrier3A)
    %scan3A_7 = arith.constant 0 : i32
    %scan3A_8 = arith.constant 79 : i32
    %scan3A_9 = arith.addi %scan3A_7, %scan3A_8 : i32
    %scan3A_10 = arith.constant 1 : i32
    scf.for %scan3A_35 = %scan3A_7 to %scan3A_9 step %scan3A_10  : i32 {
      %mul3A_36 = arith.constant 1 : i32
      %mul3A_37 = arith.muli %scan3A_35, %mul3A_36 : i32
      %add3A_38 = arith.constant 0 : i32
      %add3A_39 = arith.addi %add3A_38, %mul3A_37 : i32
      %mul3A_40 = arith.constant 79 : i32
      %mul3A_41 = arith.muli %add3A, %mul3A_40 : i32
      %add3A_42 = arith.addi %mul3A_41, %add3A_39 : i32
      %mul3A_43 = arith.constant 128 : i32
      %mul3A_44 = arith.muli %add3A_42, %mul3A_43 : i32
      %multiple_of3A_45 = tpu.assume_multiple %mul3A_44, 128 : i32
      %lt3A = arith.constant 2500 : i32
      %lt3A_46 = arith.cmpi slt, %add3A_42, %lt3A : i32
      %jit3A = arith.constant 0 : i32
      %select_n3A = arith.select %lt3A_46, %add3A_42, %jit3A : i32
      %mul3A_47 = arith.constant 128 : i32
      %mul3A_48 = arith.muli %select_n3A, %mul3A_47 : i32
      %multiple_of3A_49 = tpu.assume_multiple %mul3A_48, 128 : i32
      "tpu.region"() ({
        %run_scoped3A = tpu.sem_alloc : memref<!tpu.dma_semaphore, #tpu.memory_space<semaphore_mem>>
        %dma_start3A = tpu.memref_slice %arg2[%multiple_of3A_45] : memref<323584xi32, #tpu.memory_space<hbm>> -> memref<128xi32, #tpu.memory_space<hbm>>
        %dma_start3A_50 = tpu.memref_slice %arg2[%multiple_of3A_45] : memref<323584xi32, #tpu.memory_space<hbm>> -> memref<128xi32, #tpu.memory_space<hbm>>
        tpu.enqueue_dma source(%dma_start3A_50 : memref<128xi32, #tpu.memory_space<hbm>>) target(%arg8 : memref<128xi32, #tpu.memory_space<vmem>>) target_semaphore(%run_scoped3A : memref<!tpu.dma_semaphore, #tpu.memory_space<semaphore_mem>>)
        %dma_wait3A = tpu.memref_slice %arg2[%multiple_of3A_45] : memref<323584xi32, #tpu.memory_space<hbm>> -> memref<128xi32, #tpu.memory_space<hbm>>
        %dma_wait3A_51 = tpu.memref_slice %arg2[%multiple_of3A_45] : memref<323584xi32, #tpu.memory_space<hbm>> -> memref<128xi32, #tpu.memory_space<hbm>>
        tpu.wait_dma2 semaphore(%run_scoped3A : memref<!tpu.dma_semaphore, #tpu.memory_space<semaphore_mem>>) src(%dma_wait3A_51 : memref<128xi32, #tpu.memory_space<hbm>>) dst(%arg8 : memref<128xi32, #tpu.memory_space<vmem>>)
        tpu.yield
      }) : () -> ()
      "tpu.region"() ({
        %run_scoped3A = tpu.sem_alloc : memref<!tpu.dma_semaphore, #tpu.memory_space<semaphore_mem>>
        %dma_start3A = arith.constant 0 : i32
        %dma_start3A_50 = tpu.memref_slice %arg3[%multiple_of3A_49, %dma_start3A] : memref<320000x128xf32, #tpu.memory_space<hbm>> -> memref<128x128xf32, #tpu.memory_space<hbm>>
        %dma_start3A_51 = arith.constant 0 : i32
        %dma_start3A_52 = tpu.memref_slice %arg3[%multiple_of3A_49, %dma_start3A_51] : memref<320000x128xf32, #tpu.memory_space<hbm>> -> memref<128x128xf32, #tpu.memory_space<hbm>>
        tpu.enqueue_dma source(%dma_start3A_52 : memref<128x128xf32, #tpu.memory_space<hbm>>) target(%arg9 : memref<128x128xf32, #tpu.memory_space<vmem>>) target_semaphore(%run_scoped3A : memref<!tpu.dma_semaphore, #tpu.memory_space<semaphore_mem>>)
        %dma_wait3A = arith.constant 0 : i32
        %dma_wait3A_53 = tpu.memref_slice %arg3[%multiple_of3A_49, %dma_wait3A] : memref<320000x128xf32, #tpu.memory_space<hbm>> -> memref<128x128xf32, #tpu.memory_space<hbm>>
        %dma_wait3A_54 = arith.constant 0 : i32
        %dma_wait3A_55 = tpu.memref_slice %arg3[%multiple_of3A_49, %dma_wait3A_54] : memref<320000x128xf32, #tpu.memory_space<hbm>> -> memref<128x128xf32, #tpu.memory_space<hbm>>
        tpu.wait_dma2 semaphore(%run_scoped3A : memref<!tpu.dma_semaphore, #tpu.memory_space<semaphore_mem>>) src(%dma_wait3A_55 : memref<128x128xf32, #tpu.memory_space<hbm>>) dst(%arg9 : memref<128x128xf32, #tpu.memory_space<vmem>>)
        tpu.yield
      }) : () -> ()
      "tpu.region"() ({
        %run_scoped3A = tpu.sem_alloc : memref<!tpu.dma_semaphore, #tpu.memory_space<semaphore_mem>>
        %dma_start3A = arith.constant 0 : i32
        %dma_start3A_50 = arith.constant 0 : i32
        %dma_start3A_51 = tpu.memref_slice %arg10[%dma_start3A, %dma_start3A_50] : memref<10240x128xf32, #tpu.memory_space<vmem_shared>> -> memref<10240x128xf32, #tpu.memory_space<vmem_shared>>
        tpu.enqueue_indirect_dma source(%arg9 : memref<128x128xf32, #tpu.memory_space<vmem>>) target(%dma_start3A_51 : memref<10240x128xf32, #tpu.memory_space<vmem_shared>>) offsets(%arg8 : memref<128xi32, #tpu.memory_space<vmem>>) semaphore(%run_scoped3A : memref<!tpu.dma_semaphore, #tpu.memory_space<semaphore_mem>>) {add = true}
        %dma_wait3A = arith.constant 0 : i32
        %dma_wait3A_52 = arith.constant 0 : i32
        %dma_wait3A_53 = tpu.memref_slice %arg10[%dma_wait3A, %dma_wait3A_52] : memref<10240x128xf32, #tpu.memory_space<vmem_shared>> -> memref<10240x128xf32, #tpu.memory_space<vmem_shared>>
        tpu.wait_indirect_dma semaphore(%run_scoped3A : memref<!tpu.dma_semaphore, #tpu.memory_space<semaphore_mem>>) src(%arg9 : memref<128x128xf32, #tpu.memory_space<vmem>>) dst(%dma_wait3A_53 : memref<10240x128xf32, #tpu.memory_space<vmem_shared>>)
        tpu.yield
      }) : () -> ()
    }
    %scan3A_11 = arith.constant 79 : i32
    %barrier3A_12 = arith.constant 0 : index
    tpu.barrier barrier_id(%barrier3A_12)
    %scan3A_13 = arith.constant 0 : i32
    %scan3A_14 = arith.constant 5 : i32
    %scan3A_15 = arith.addi %scan3A_13, %scan3A_14 : i32
    %scan3A_16 = arith.constant 1 : i32
    scf.for %scan3A_35 = %scan3A_13 to %scan3A_15 step %scan3A_16  : i32 {
      %mul3A_36 = arith.constant 1 : i32
      %mul3A_37 = arith.muli %scan3A_35, %mul3A_36 : i32
      %add3A_38 = arith.constant 0 : i32
      %add3A_39 = arith.addi %add3A_38, %mul3A_37 : i32
      %mul3A_40 = arith.constant 128 : i32
      %mul3A_41 = arith.muli %add3A_39, %mul3A_40 : i32
      %add3A_42 = arith.addi %multiple_of3A, %mul3A_41 : i32
      %multiple_of3A_43 = tpu.assume_multiple %add3A_42, 8 : i32
      %mul3A_44 = arith.constant 10240 : i32
      %mul3A_45 = arith.muli %arg0, %mul3A_44 : i32
      %add3A_46 = arith.addi %mul3A_45, %multiple_of3A_43 : i32
      %multiple_of3A_47 = tpu.assume_multiple %add3A_46, 8 : i32
      "tpu.region"() ({
        %run_scoped3A = tpu.sem_alloc : memref<!tpu.dma_semaphore, #tpu.memory_space<semaphore_mem>>
        %dma_start3A = arith.constant 0 : i32
        %dma_start3A_48 = tpu.memref_slice %arg10[%multiple_of3A_43, %dma_start3A] : memref<10240x128xf32, #tpu.memory_space<vmem_shared>> -> memref<128x128xf32, #tpu.memory_space<vmem_shared>>
        %dma_start3A_49 = arith.constant 0 : i32
        %dma_start3A_50 = tpu.memref_slice %arg10[%multiple_of3A_43, %dma_start3A_49] : memref<10240x128xf32, #tpu.memory_space<vmem_shared>> -> memref<128x128xf32, #tpu.memory_space<vmem_shared>>
        tpu.enqueue_dma source(%dma_start3A_50 : memref<128x128xf32, #tpu.memory_space<vmem_shared>>) target(%arg9 : memref<128x128xf32, #tpu.memory_space<vmem>>) target_semaphore(%run_scoped3A : memref<!tpu.dma_semaphore, #tpu.memory_space<semaphore_mem>>)
        %dma_wait3A = arith.constant 0 : i32
        %dma_wait3A_51 = tpu.memref_slice %arg10[%multiple_of3A_43, %dma_wait3A] : memref<10240x128xf32, #tpu.memory_space<vmem_shared>> -> memref<128x128xf32, #tpu.memory_space<vmem_shared>>
        %dma_wait3A_52 = arith.constant 0 : i32
        %dma_wait3A_53 = tpu.memref_slice %arg10[%multiple_of3A_43, %dma_wait3A_52] : memref<10240x128xf32, #tpu.memory_space<vmem_shared>> -> memref<128x128xf32, #tpu.memory_space<vmem_shared>>
        tpu.wait_dma2 semaphore(%run_scoped3A : memref<!tpu.dma_semaphore, #tpu.memory_space<semaphore_mem>>) src(%dma_wait3A_53 : memref<128x128xf32, #tpu.memory_space<vmem_shared>>) dst(%arg9 : memref<128x128xf32, #tpu.memory_space<vmem>>)
        tpu.yield
      }) : () -> ()
      "tpu.region"() ({
        %run_scoped3A = tpu.sem_alloc : memref<!tpu.dma_semaphore, #tpu.memory_space<semaphore_mem>>
        %dma_start3A = arith.constant 0 : i32
        %dma_start3A_48 = tpu.memref_slice %arg6[%multiple_of3A_47, %dma_start3A] : memref<20480x128xf32, #tpu.memory_space<hbm>> -> memref<128x128xf32, #tpu.memory_space<hbm>>
        %dma_start3A_49 = arith.constant 0 : i32
        %dma_start3A_50 = tpu.memref_slice %arg6[%multiple_of3A_47, %dma_start3A_49] : memref<20480x128xf32, #tpu.memory_space<hbm>> -> memref<128x128xf32, #tpu.memory_space<hbm>>
        tpu.enqueue_dma source(%arg9 : memref<128x128xf32, #tpu.memory_space<vmem>>) target(%dma_start3A_50 : memref<128x128xf32, #tpu.memory_space<hbm>>) target_semaphore(%run_scoped3A : memref<!tpu.dma_semaphore, #tpu.memory_space<semaphore_mem>>)
        %dma_wait3A = arith.constant 0 : i32
        %dma_wait3A_51 = tpu.memref_slice %arg6[%multiple_of3A_47, %dma_wait3A] : memref<20480x128xf32, #tpu.memory_space<hbm>> -> memref<128x128xf32, #tpu.memory_space<hbm>>
        %dma_wait3A_52 = arith.constant 0 : i32
        %dma_wait3A_53 = tpu.memref_slice %arg6[%multiple_of3A_47, %dma_wait3A_52] : memref<20480x128xf32, #tpu.memory_space<hbm>> -> memref<128x128xf32, #tpu.memory_space<hbm>>
        tpu.wait_dma2 semaphore(%run_scoped3A : memref<!tpu.dma_semaphore, #tpu.memory_space<semaphore_mem>>) src(%arg9 : memref<128x128xf32, #tpu.memory_space<vmem>>) dst(%dma_wait3A_53 : memref<128x128xf32, #tpu.memory_space<hbm>>)
        tpu.yield
      }) : () -> ()
    }
    %scan3A_17 = arith.constant 5 : i32
    "tpu.region"() ({
      %run_scoped3A = tpu.sem_alloc : memref<!tpu.dma_semaphore, #tpu.memory_space<semaphore_mem>>
      tpu.enqueue_dma source(%arg5 : memref<128x128xf32, #tpu.memory_space<hbm>>) target(%arg9 : memref<128x128xf32, #tpu.memory_space<vmem>>) target_semaphore(%run_scoped3A : memref<!tpu.dma_semaphore, #tpu.memory_space<semaphore_mem>>)
      tpu.wait_dma2 semaphore(%run_scoped3A : memref<!tpu.dma_semaphore, #tpu.memory_space<semaphore_mem>>) src(%arg5 : memref<128x128xf32, #tpu.memory_space<hbm>>) dst(%arg9 : memref<128x128xf32, #tpu.memory_space<vmem>>)
      tpu.yield
    }) : () -> ()
    %scan3A_18 = arith.constant 0 : i32
    %scan3A_19 = arith.constant 5 : i32
    %scan3A_20 = arith.addi %scan3A_18, %scan3A_19 : i32
    %scan3A_21 = arith.constant 1 : i32
    scf.for %scan3A_35 = %scan3A_18 to %scan3A_20 step %scan3A_21  : i32 {
      %mul3A_36 = arith.constant 1 : i32
      %mul3A_37 = arith.muli %scan3A_35, %mul3A_36 : i32
      %add3A_38 = arith.constant 0 : i32
      %add3A_39 = arith.addi %add3A_38, %mul3A_37 : i32
      %mul3A_40 = arith.constant 128 : i32
      %mul3A_41 = arith.muli %add3A_39, %mul3A_40 : i32
      %add3A_42 = arith.addi %multiple_of3A, %mul3A_41 : i32
      %multiple_of3A_43 = tpu.assume_multiple %add3A_42, 8 : i32
      "tpu.region"() ({
        %run_scoped3A = tpu.sem_alloc : memref<!tpu.dma_semaphore, #tpu.memory_space<semaphore_mem>>
        %dma_start3A = arith.constant 0 : i32
        %dma_start3A_44 = tpu.memref_slice %arg10[%multiple_of3A_43, %dma_start3A] : memref<10240x128xf32, #tpu.memory_space<vmem_shared>> -> memref<128x128xf32, #tpu.memory_space<vmem_shared>>
        %dma_start3A_45 = arith.constant 0 : i32
        %dma_start3A_46 = tpu.memref_slice %arg10[%multiple_of3A_43, %dma_start3A_45] : memref<10240x128xf32, #tpu.memory_space<vmem_shared>> -> memref<128x128xf32, #tpu.memory_space<vmem_shared>>
        tpu.enqueue_dma source(%arg9 : memref<128x128xf32, #tpu.memory_space<vmem>>) target(%dma_start3A_46 : memref<128x128xf32, #tpu.memory_space<vmem_shared>>) target_semaphore(%run_scoped3A : memref<!tpu.dma_semaphore, #tpu.memory_space<semaphore_mem>>)
        %dma_wait3A = arith.constant 0 : i32
        %dma_wait3A_47 = tpu.memref_slice %arg10[%multiple_of3A_43, %dma_wait3A] : memref<10240x128xf32, #tpu.memory_space<vmem_shared>> -> memref<128x128xf32, #tpu.memory_space<vmem_shared>>
        %dma_wait3A_48 = arith.constant 0 : i32
        %dma_wait3A_49 = tpu.memref_slice %arg10[%multiple_of3A_43, %dma_wait3A_48] : memref<10240x128xf32, #tpu.memory_space<vmem_shared>> -> memref<128x128xf32, #tpu.memory_space<vmem_shared>>
        tpu.wait_dma2 semaphore(%run_scoped3A : memref<!tpu.dma_semaphore, #tpu.memory_space<semaphore_mem>>) src(%arg9 : memref<128x128xf32, #tpu.memory_space<vmem>>) dst(%dma_wait3A_49 : memref<128x128xf32, #tpu.memory_space<vmem_shared>>)
        tpu.yield
      }) : () -> ()
    }
    %scan3A_22 = arith.constant 5 : i32
    %barrier3A_23 = arith.constant 0 : index
    tpu.barrier barrier_id(%barrier3A_23)
    %scan3A_24 = arith.constant 0 : i32
    %scan3A_25 = arith.constant 79 : i32
    %scan3A_26 = arith.addi %scan3A_24, %scan3A_25 : i32
    %scan3A_27 = arith.constant 1 : i32
    scf.for %scan3A_35 = %scan3A_24 to %scan3A_26 step %scan3A_27  : i32 {
      %mul3A_36 = arith.constant 1 : i32
      %mul3A_37 = arith.muli %scan3A_35, %mul3A_36 : i32
      %add3A_38 = arith.constant 0 : i32
      %add3A_39 = arith.addi %add3A_38, %mul3A_37 : i32
      %mul3A_40 = arith.constant 79 : i32
      %mul3A_41 = arith.muli %add3A, %mul3A_40 : i32
      %add3A_42 = arith.addi %mul3A_41, %add3A_39 : i32
      %mul3A_43 = arith.constant 128 : i32
      %mul3A_44 = arith.muli %add3A_42, %mul3A_43 : i32
      %multiple_of3A_45 = tpu.assume_multiple %mul3A_44, 128 : i32
      %lt3A = arith.constant 2500 : i32
      %lt3A_46 = arith.cmpi slt, %add3A_42, %lt3A : i32
      %jit3A = arith.constant 0 : i32
      %select_n3A = arith.select %lt3A_46, %add3A_42, %jit3A : i32
      %mul3A_47 = arith.constant 128 : i32
      %mul3A_48 = arith.muli %select_n3A, %mul3A_47 : i32
      %multiple_of3A_49 = tpu.assume_multiple %mul3A_48, 128 : i32
      "tpu.region"() ({
        %run_scoped3A = tpu.sem_alloc : memref<!tpu.dma_semaphore, #tpu.memory_space<semaphore_mem>>
        %dma_start3A = tpu.memref_slice %arg2[%multiple_of3A_45] : memref<323584xi32, #tpu.memory_space<hbm>> -> memref<128xi32, #tpu.memory_space<hbm>>
        %dma_start3A_50 = tpu.memref_slice %arg2[%multiple_of3A_45] : memref<323584xi32, #tpu.memory_space<hbm>> -> memref<128xi32, #tpu.memory_space<hbm>>
        tpu.enqueue_dma source(%dma_start3A_50 : memref<128xi32, #tpu.memory_space<hbm>>) target(%arg8 : memref<128xi32, #tpu.memory_space<vmem>>) target_semaphore(%run_scoped3A : memref<!tpu.dma_semaphore, #tpu.memory_space<semaphore_mem>>)
        %dma_wait3A = tpu.memref_slice %arg2[%multiple_of3A_45] : memref<323584xi32, #tpu.memory_space<hbm>> -> memref<128xi32, #tpu.memory_space<hbm>>
        %dma_wait3A_51 = tpu.memref_slice %arg2[%multiple_of3A_45] : memref<323584xi32, #tpu.memory_space<hbm>> -> memref<128xi32, #tpu.memory_space<hbm>>
        tpu.wait_dma2 semaphore(%run_scoped3A : memref<!tpu.dma_semaphore, #tpu.memory_space<semaphore_mem>>) src(%dma_wait3A_51 : memref<128xi32, #tpu.memory_space<hbm>>) dst(%arg8 : memref<128xi32, #tpu.memory_space<vmem>>)
        tpu.yield
      }) : () -> ()
      "tpu.region"() ({
        %run_scoped3A = tpu.sem_alloc : memref<!tpu.dma_semaphore, #tpu.memory_space<semaphore_mem>>
        %dma_start3A = arith.constant 0 : i32
        %dma_start3A_50 = tpu.memref_slice %arg4[%multiple_of3A_49, %dma_start3A] : memref<320000x128xf32, #tpu.memory_space<hbm>> -> memref<128x128xf32, #tpu.memory_space<hbm>>
        %dma_start3A_51 = arith.constant 0 : i32
        %dma_start3A_52 = tpu.memref_slice %arg4[%multiple_of3A_49, %dma_start3A_51] : memref<320000x128xf32, #tpu.memory_space<hbm>> -> memref<128x128xf32, #tpu.memory_space<hbm>>
        tpu.enqueue_dma source(%dma_start3A_52 : memref<128x128xf32, #tpu.memory_space<hbm>>) target(%arg9 : memref<128x128xf32, #tpu.memory_space<vmem>>) target_semaphore(%run_scoped3A : memref<!tpu.dma_semaphore, #tpu.memory_space<semaphore_mem>>)
        %dma_wait3A = arith.constant 0 : i32
        %dma_wait3A_53 = tpu.memref_slice %arg4[%multiple_of3A_49, %dma_wait3A] : memref<320000x128xf32, #tpu.memory_space<hbm>> -> memref<128x128xf32, #tpu.memory_space<hbm>>
        %dma_wait3A_54 = arith.constant 0 : i32
        %dma_wait3A_55 = tpu.memref_slice %arg4[%multiple_of3A_49, %dma_wait3A_54] : memref<320000x128xf32, #tpu.memory_space<hbm>> -> memref<128x128xf32, #tpu.memory_space<hbm>>
        tpu.wait_dma2 semaphore(%run_scoped3A : memref<!tpu.dma_semaphore, #tpu.memory_space<semaphore_mem>>) src(%dma_wait3A_55 : memref<128x128xf32, #tpu.memory_space<hbm>>) dst(%arg9 : memref<128x128xf32, #tpu.memory_space<vmem>>)
        tpu.yield
      }) : () -> ()
      "tpu.region"() ({
        %run_scoped3A = tpu.sem_alloc : memref<!tpu.dma_semaphore, #tpu.memory_space<semaphore_mem>>
        %dma_start3A = arith.constant 0 : i32
        %dma_start3A_50 = arith.constant 0 : i32
        %dma_start3A_51 = tpu.memref_slice %arg10[%dma_start3A, %dma_start3A_50] : memref<10240x128xf32, #tpu.memory_space<vmem_shared>> -> memref<10240x128xf32, #tpu.memory_space<vmem_shared>>
        tpu.enqueue_indirect_dma source(%arg9 : memref<128x128xf32, #tpu.memory_space<vmem>>) target(%dma_start3A_51 : memref<10240x128xf32, #tpu.memory_space<vmem_shared>>) offsets(%arg8 : memref<128xi32, #tpu.memory_space<vmem>>) semaphore(%run_scoped3A : memref<!tpu.dma_semaphore, #tpu.memory_space<semaphore_mem>>) {add = true}
        %dma_wait3A = arith.constant 0 : i32
        %dma_wait3A_52 = arith.constant 0 : i32
        %dma_wait3A_53 = tpu.memref_slice %arg10[%dma_wait3A, %dma_wait3A_52] : memref<10240x128xf32, #tpu.memory_space<vmem_shared>> -> memref<10240x128xf32, #tpu.memory_space<vmem_shared>>
        tpu.wait_indirect_dma semaphore(%run_scoped3A : memref<!tpu.dma_semaphore, #tpu.memory_space<semaphore_mem>>) src(%arg9 : memref<128x128xf32, #tpu.memory_space<vmem>>) dst(%dma_wait3A_53 : memref<10240x128xf32, #tpu.memory_space<vmem_shared>>)
        tpu.yield
      }) : () -> ()
    }
    %scan3A_28 = arith.constant 79 : i32
    %barrier3A_29 = arith.constant 0 : index
    tpu.barrier barrier_id(%barrier3A_29)
    %scan3A_30 = arith.constant 0 : i32
    %scan3A_31 = arith.constant 5 : i32
    %scan3A_32 = arith.addi %scan3A_30, %scan3A_31 : i32
    %scan3A_33 = arith.constant 1 : i32
    scf.for %scan3A_35 = %scan3A_30 to %scan3A_32 step %scan3A_33  : i32 {
      %mul3A_36 = arith.constant 1 : i32
      %mul3A_37 = arith.muli %scan3A_35, %mul3A_36 : i32
      %add3A_38 = arith.constant 0 : i32
      %add3A_39 = arith.addi %add3A_38, %mul3A_37 : i32
      %mul3A_40 = arith.constant 128 : i32
      %mul3A_41 = arith.muli %add3A_39, %mul3A_40 : i32
      %add3A_42 = arith.addi %multiple_of3A, %mul3A_41 : i32
      %multiple_of3A_43 = tpu.assume_multiple %add3A_42, 8 : i32
      %mul3A_44 = arith.constant 10240 : i32
      %mul3A_45 = arith.muli %arg0, %mul3A_44 : i32
      %add3A_46 = arith.addi %mul3A_45, %multiple_of3A_43 : i32
      %multiple_of3A_47 = tpu.assume_multiple %add3A_46, 8 : i32
      "tpu.region"() ({
        %run_scoped3A = tpu.sem_alloc : memref<!tpu.dma_semaphore, #tpu.memory_space<semaphore_mem>>
        %dma_start3A = arith.constant 0 : i32
        %dma_start3A_48 = tpu.memref_slice %arg10[%multiple_of3A_43, %dma_start3A] : memref<10240x128xf32, #tpu.memory_space<vmem_shared>> -> memref<128x128xf32, #tpu.memory_space<vmem_shared>>
        %dma_start3A_49 = arith.constant 0 : i32
        %dma_start3A_50 = tpu.memref_slice %arg10[%multiple_of3A_43, %dma_start3A_49] : memref<10240x128xf32, #tpu.memory_space<vmem_shared>> -> memref<128x128xf32, #tpu.memory_space<vmem_shared>>
        tpu.enqueue_dma source(%dma_start3A_50 : memref<128x128xf32, #tpu.memory_space<vmem_shared>>) target(%arg9 : memref<128x128xf32, #tpu.memory_space<vmem>>) target_semaphore(%run_scoped3A : memref<!tpu.dma_semaphore, #tpu.memory_space<semaphore_mem>>)
        %dma_wait3A = arith.constant 0 : i32
        %dma_wait3A_51 = tpu.memref_slice %arg10[%multiple_of3A_43, %dma_wait3A] : memref<10240x128xf32, #tpu.memory_space<vmem_shared>> -> memref<128x128xf32, #tpu.memory_space<vmem_shared>>
        %dma_wait3A_52 = arith.constant 0 : i32
        %dma_wait3A_53 = tpu.memref_slice %arg10[%multiple_of3A_43, %dma_wait3A_52] : memref<10240x128xf32, #tpu.memory_space<vmem_shared>> -> memref<128x128xf32, #tpu.memory_space<vmem_shared>>
        tpu.wait_dma2 semaphore(%run_scoped3A : memref<!tpu.dma_semaphore, #tpu.memory_space<semaphore_mem>>) src(%dma_wait3A_53 : memref<128x128xf32, #tpu.memory_space<vmem_shared>>) dst(%arg9 : memref<128x128xf32, #tpu.memory_space<vmem>>)
        tpu.yield
      }) : () -> ()
      "tpu.region"() ({
        %run_scoped3A = tpu.sem_alloc : memref<!tpu.dma_semaphore, #tpu.memory_space<semaphore_mem>>
        %dma_start3A = arith.constant 0 : i32
        %dma_start3A_48 = tpu.memref_slice %arg7[%multiple_of3A_47, %dma_start3A] : memref<20480x128xf32, #tpu.memory_space<hbm>> -> memref<128x128xf32, #tpu.memory_space<hbm>>
        %dma_start3A_49 = arith.constant 0 : i32
        %dma_start3A_50 = tpu.memref_slice %arg7[%multiple_of3A_47, %dma_start3A_49] : memref<20480x128xf32, #tpu.memory_space<hbm>> -> memref<128x128xf32, #tpu.memory_space<hbm>>
        tpu.enqueue_dma source(%arg9 : memref<128x128xf32, #tpu.memory_space<vmem>>) target(%dma_start3A_50 : memref<128x128xf32, #tpu.memory_space<hbm>>) target_semaphore(%run_scoped3A : memref<!tpu.dma_semaphore, #tpu.memory_space<semaphore_mem>>)
        %dma_wait3A = arith.constant 0 : i32
        %dma_wait3A_51 = tpu.memref_slice %arg7[%multiple_of3A_47, %dma_wait3A] : memref<20480x128xf32, #tpu.memory_space<hbm>> -> memref<128x128xf32, #tpu.memory_space<hbm>>
        %dma_wait3A_52 = arith.constant 0 : i32
        %dma_wait3A_53 = tpu.memref_slice %arg7[%multiple_of3A_47, %dma_wait3A_52] : memref<20480x128xf32, #tpu.memory_space<hbm>> -> memref<128x128xf32, #tpu.memory_space<hbm>>
        tpu.wait_dma2 semaphore(%run_scoped3A : memref<!tpu.dma_semaphore, #tpu.memory_space<semaphore_mem>>) src(%arg9 : memref<128x128xf32, #tpu.memory_space<vmem>>) dst(%dma_wait3A_53 : memref<128x128xf32, #tpu.memory_space<hbm>>)
        tpu.yield
      }) : () -> ()
    }
    %scan3A_34 = arith.constant 5 : i32
    return
  }
}

module attributes {stable_mosaic.version = 14 : i64} {
  func.func @_k1_body(%arg0: i32, %arg1: memref<400x128xf32, #tpu.memory_space<vmem>>, %arg2: memref<400x128xf32, #tpu.memory_space<vmem>>, %arg3: memref<128x128xf32, #tpu.memory_space<vmem>>, %arg4: memref<128x128xf32, #tpu.memory_space<vmem>>, %arg5: memref<1x128xf32, #tpu.memory_space<vmem>>, %arg6: memref<400x128xf32, #tpu.memory_space<vmem>>, %arg7: memref<400x128xf32, #tpu.memory_space<vmem>>) attributes {dimension_semantics = [#tpu.dimension_semantics<arbitrary>], iteration_bounds = array<i64: 25>, scalar_prefetch = 0 : i64, scratch_operands = 0 : i64, tpu.core_type = #tpu.core_type<tc>, window_params = [{transform_indices = @transform_0, window_bounds = array<i64: 400, 128>}, {transform_indices = @transform_1, window_bounds = array<i64: 400, 128>}, {pipeline_mode = #tpu.pipeline_mode<synchronous>, transform_indices = @transform_2, window_bounds = array<i64: 128, 128>}, {pipeline_mode = #tpu.pipeline_mode<synchronous>, transform_indices = @transform_3, window_bounds = array<i64: 128, 128>}, {pipeline_mode = #tpu.pipeline_mode<synchronous>, transform_indices = @transform_4, window_bounds = array<i64: 1, 128>}, {transform_indices = @transform_5, window_bounds = array<i64: 400, 128>}, {transform_indices = @transform_6, window_bounds = array<i64: 400, 128>}]} {
    %get3A = arith.constant 0 : index
    %get3A_0 = arith.constant 0 : index
    %get3A_1 = vector.load %arg1[%get3A, %get3A_0] : memref<400x128xf32, #tpu.memory_space<vmem>>, vector<400x128xf32>
    %get3A_2 = arith.constant 0 : index
    %get3A_3 = arith.constant 0 : index
    %get3A_4 = vector.load %arg2[%get3A_2, %get3A_3] : memref<400x128xf32, #tpu.memory_space<vmem>>, vector<400x128xf32>
    %bitcast_convert_type3A = tpu.bitcast %get3A_4 : vector<400x128xf32> -> vector<400x128xi32>
    %add3A = arith.constant 32768 : i32
    %add3A_5 = vector.broadcast %add3A : i32 to vector<400x128xi32>
    %add3A_6 = arith.addi %bitcast_convert_type3A, %add3A_5 : vector<400x128xi32>
    %shift_right_logical3A = arith.constant 16 : i32
    %shift_right_logical3A_7 = vector.broadcast %shift_right_logical3A : i32 to vector<400x128xi32>
    %shift_right_logical3A_8 = arith.shrui %add3A_6, %shift_right_logical3A_7 : vector<400x128xi32>
    %get3A_9 = arith.constant 0 : index
    %get3A_10 = arith.constant 0 : index
    %get3A_11 = vector.load %arg3[%get3A_9, %get3A_10] : memref<128x128xf32, #tpu.memory_space<vmem>>, vector<128x128xf32>
    %dot_general3A = arith.constant dense<0.000000e+00> : vector<400x128xf32>
    %dot_general3A_12 = tpu.matmul %get3A_1, %get3A_11, %dot_general3A {dimension_numbers = #tpu.dot_dimension_numbers<[1], [0], [0], [1], [0, 0, 1, 1], [], []>, transpose_lhs_hint = false} : vector<400x128xf32>, vector<128x128xf32>, vector<400x128xf32> -> vector<400x128xf32>
    %get3A_13 = arith.constant 0 : index
    %get3A_14 = arith.constant 0 : index
    %get3A_15 = vector.load %arg5[%get3A_13, %get3A_14] : memref<1x128xf32, #tpu.memory_space<vmem>>, vector<1x128xf32>
    %add3A_16 = vector.broadcast %get3A_15 : vector<1x128xf32> to vector<400x128xf32>
    %add3A_17 = arith.addf %dot_general3A_12, %add3A_16 : vector<400x128xf32>
    %get3A_18 = arith.constant 0 : index
    %get3A_19 = arith.constant 0 : index
    %get3A_20 = vector.load %arg4[%get3A_18, %get3A_19] : memref<128x128xf32, #tpu.memory_space<vmem>>, vector<128x128xf32>
    %dot_general3A_21 = arith.constant dense<0.000000e+00> : vector<400x128xf32>
    %dot_general3A_22 = tpu.matmul %get3A_1, %get3A_20, %dot_general3A_21 {dimension_numbers = #tpu.dot_dimension_numbers<[1], [0], [0], [1], [0, 0, 1, 1], [], []>, transpose_lhs_hint = false} : vector<400x128xf32>, vector<128x128xf32>, vector<400x128xf32> -> vector<400x128xf32>
    %bitcast_convert_type3A_23 = tpu.bitcast %add3A_17 : vector<400x128xf32> -> vector<400x128xi32>
    %add3A_24 = arith.constant 32768 : i32
    %add3A_25 = vector.broadcast %add3A_24 : i32 to vector<400x128xi32>
    %add3A_26 = arith.addi %bitcast_convert_type3A_23, %add3A_25 : vector<400x128xi32>
    %and3A = arith.constant -65536 : i32
    %and3A_27 = vector.broadcast %and3A : i32 to vector<400x128xi32>
    %and3A_28 = arith.andi %add3A_26, %and3A_27 : vector<400x128xi32>
    %or3A = arith.ori %and3A_28, %shift_right_logical3A_8 : vector<400x128xi32>
    %bitcast_convert_type3A_29 = tpu.bitcast %or3A : vector<400x128xi32> -> vector<400x128xf32>
    %swap3A = arith.constant 0 : index
    %swap3A_30 = arith.constant 0 : index
    %swap3A_31 = vector.load %arg6[%swap3A, %swap3A_30] : memref<400x128xf32, #tpu.memory_space<vmem>>, vector<400x128xf32>
    tpu.vector_store %arg6[%swap3A, %swap3A_30], %bitcast_convert_type3A_29 {strides = array<i32>} : memref<400x128xf32, #tpu.memory_space<vmem>>, vector<400x128xf32>,
    %bitcast_convert_type3A_32 = tpu.bitcast %dot_general3A_22 : vector<400x128xf32> -> vector<400x128xi32>
    %add3A_33 = arith.constant 32768 : i32
    %add3A_34 = vector.broadcast %add3A_33 : i32 to vector<400x128xi32>
    %add3A_35 = arith.addi %bitcast_convert_type3A_32, %add3A_34 : vector<400x128xi32>
    %and3A_36 = arith.constant -65536 : i32
    %and3A_37 = vector.broadcast %and3A_36 : i32 to vector<400x128xi32>
    %and3A_38 = arith.andi %add3A_35, %and3A_37 : vector<400x128xi32>
    %or3A_39 = arith.ori %and3A_38, %shift_right_logical3A_8 : vector<400x128xi32>
    %bitcast_convert_type3A_40 = tpu.bitcast %or3A_39 : vector<400x128xi32> -> vector<400x128xf32>
    %swap3A_41 = arith.constant 0 : index
    %swap3A_42 = arith.constant 0 : index
    %swap3A_43 = vector.load %arg7[%swap3A_41, %swap3A_42] : memref<400x128xf32, #tpu.memory_space<vmem>>, vector<400x128xf32>
    tpu.vector_store %arg7[%swap3A_41, %swap3A_42], %bitcast_convert_type3A_40 {strides = array<i32>} : memref<400x128xf32, #tpu.memory_space<vmem>>, vector<400x128xf32>,
    return
  }
  func.func @transform_0(%arg0: i32) -> (i32, i32) {
    %c0_i32 = arith.constant 0 : i32
    %c0_i32_0 = arith.constant 0 : i32
    return %arg0, %c0_i32 : i32, i32
  }
  func.func @transform_1(%arg0: i32) -> (i32, i32) {
    %c0_i32 = arith.constant 0 : i32
    %c0_i32_0 = arith.constant 0 : i32
    return %arg0, %c0_i32 : i32, i32
  }
  func.func @transform_2(%arg0: i32) -> (i32, i32) {
    %c0_i32 = arith.constant 0 : i32
    %c0_i32_0 = arith.constant 0 : i32
    %c0_i32_1 = arith.constant 0 : i32
    return %c0_i32, %c0_i32_0 : i32, i32
  }
  func.func @transform_3(%arg0: i32) -> (i32, i32) {
    %c0_i32 = arith.constant 0 : i32
    %c0_i32_0 = arith.constant 0 : i32
    %c0_i32_1 = arith.constant 0 : i32
    return %c0_i32, %c0_i32_0 : i32, i32
  }
  func.func @transform_4(%arg0: i32) -> (i32, i32) {
    %c0_i32 = arith.constant 0 : i32
    %c0_i32_0 = arith.constant 0 : i32
    %c0_i32_1 = arith.constant 0 : i32
    return %c0_i32, %c0_i32_0 : i32, i32
  }
  func.func @transform_5(%arg0: i32) -> (i32, i32) {
    %c0_i32 = arith.constant 0 : i32
    %c0_i32_0 = arith.constant 0 : i32
    return %arg0, %c0_i32 : i32, i32
  }
  func.func @transform_6(%arg0: i32) -> (i32, i32) {
    %c0_i32 = arith.constant 0 : i32
    %c0_i32_0 = arith.constant 0 : i32
    return %arg0, %c0_i32 : i32, i32
  }
}

module attributes {stable_mosaic.version = 14 : i64} {
  func.func @_k3_body(%arg0: i32, %arg1: memref<512x128xf32, #tpu.memory_space<vmem>>, %arg2: memref<512x128xf32, #tpu.memory_space<vmem>>, %arg3: memref<512x16xf32, #tpu.memory_space<vmem>>, %arg4: memref<16x128xbf16, #tpu.memory_space<vmem>>, %arg5: memref<1x128xf32, #tpu.memory_space<vmem>>, %arg6: memref<128x128xbf16, #tpu.memory_space<vmem>>, %arg7: memref<1x128xf32, #tpu.memory_space<vmem>>, %arg8: memref<128x128xbf16, #tpu.memory_space<vmem>>, %arg9: memref<1x128xf32, #tpu.memory_space<vmem>>, %arg10: memref<1x128xf32, #tpu.memory_space<vmem>>, %arg11: memref<512x128xf32, #tpu.memory_space<vmem>>, %arg12: memref<512x128xf32, #tpu.memory_space<vmem>>) attributes {dimension_semantics = [#tpu.dimension_semantics<arbitrary>], iteration_bounds = array<i64: 625>, scalar_prefetch = 0 : i64, scratch_operands = 0 : i64, tpu.core_type = #tpu.core_type<tc>, window_params = [{transform_indices = @transform_0, window_bounds = array<i64: 512, 128>}, {transform_indices = @transform_1, window_bounds = array<i64: 512, 128>}, {transform_indices = @transform_2, window_bounds = array<i64: 512, 16>}, {pipeline_mode = #tpu.pipeline_mode<synchronous>, transform_indices = @transform_3, window_bounds = array<i64: 16, 128>}, {pipeline_mode = #tpu.pipeline_mode<synchronous>, transform_indices = @transform_4, window_bounds = array<i64: 1, 128>}, {pipeline_mode = #tpu.pipeline_mode<synchronous>, transform_indices = @transform_5, window_bounds = array<i64: 128, 128>}, {pipeline_mode = #tpu.pipeline_mode<synchronous>, transform_indices = @transform_6, window_bounds = array<i64: 1, 128>}, {pipeline_mode = #tpu.pipeline_mode<synchronous>, transform_indices = @transform_7, window_bounds = array<i64: 128, 128>}, {pipeline_mode = #tpu.pipeline_mode<synchronous>, transform_indices = @transform_8, window_bounds = array<i64: 1, 128>}, {pipeline_mode = #tpu.pipeline_mode<synchronous>, transform_indices = @transform_9, window_bounds = array<i64: 1, 128>}, {transform_indices = @transform_10, window_bounds = array<i64: 512, 128>}, {transform_indices = @transform_11, window_bounds = array<i64: 512, 128>}]} {
    %get3A = arith.constant 0 : index
    %get3A_0 = arith.constant 0 : index
    %get3A_1 = vector.load %arg1[%get3A, %get3A_0] : memref<512x128xf32, #tpu.memory_space<vmem>>, vector<512x128xf32>
    %bitcast_convert_type3A = tpu.bitcast %get3A_1 : vector<512x128xf32> -> vector<512x128xi32>
    %get3A_2 = arith.constant 0 : index
    %get3A_3 = arith.constant 0 : index
    %get3A_4 = vector.load %arg2[%get3A_2, %get3A_3] : memref<512x128xf32, #tpu.memory_space<vmem>>, vector<512x128xf32>
    %bitcast_convert_type3A_5 = tpu.bitcast %get3A_4 : vector<512x128xf32> -> vector<512x128xi32>
    %and3A = arith.constant -65536 : i32
    %and3A_6 = vector.broadcast %and3A : i32 to vector<512x128xi32>
    %and3A_7 = arith.andi %bitcast_convert_type3A, %and3A_6 : vector<512x128xi32>
    %bitcast_convert_type3A_8 = tpu.bitcast %and3A_7 : vector<512x128xi32> -> vector<512x128xf32>
    %and3A_9 = arith.constant -65536 : i32
    %and3A_10 = vector.broadcast %and3A_9 : i32 to vector<512x128xi32>
    %and3A_11 = arith.andi %bitcast_convert_type3A_5, %and3A_10 : vector<512x128xi32>
    %bitcast_convert_type3A_12 = tpu.bitcast %and3A_11 : vector<512x128xi32> -> vector<512x128xf32>
    %add3A = arith.addf %bitcast_convert_type3A_8, %bitcast_convert_type3A_12 : vector<512x128xf32>
    %shift_left3A = arith.constant 16 : i32
    %shift_left3A_13 = vector.broadcast %shift_left3A : i32 to vector<512x128xi32>
    %shift_left3A_14 = arith.shli %bitcast_convert_type3A, %shift_left3A_13 : vector<512x128xi32>
    %bitcast_convert_type3A_15 = tpu.bitcast %shift_left3A_14 : vector<512x128xi32> -> vector<512x128xf32>
    %shift_left3A_16 = arith.constant 16 : i32
    %shift_left3A_17 = vector.broadcast %shift_left3A_16 : i32 to vector<512x128xi32>
    %shift_left3A_18 = arith.shli %bitcast_convert_type3A_5, %shift_left3A_17 : vector<512x128xi32>
    %bitcast_convert_type3A_19 = tpu.bitcast %shift_left3A_18 : vector<512x128xi32> -> vector<512x128xf32>
    %slice3A = vector.extract_strided_slice %bitcast_convert_type3A_15 {offsets = [0, 0], sizes = [512, 3], strides = [1, 1]} : vector<512x128xf32> to vector<512x3xf32>
    %slice3A_20 = vector.extract_strided_slice %bitcast_convert_type3A_19 {offsets = [0, 0], sizes = [512, 3], strides = [1, 1]} : vector<512x128xf32> to vector<512x3xf32>
    %sub3A = arith.subf %slice3A, %slice3A_20 : vector<512x3xf32>
    %mul3A = arith.mulf %sub3A, %sub3A : vector<512x3xf32>
    %reduce_sum3A = arith.constant dense<0.000000e+00> : vector<512xf32>
    %reduce_sum3A_21 = vector.multi_reduction <add>, %mul3A, %reduce_sum3A [1] : vector<512x3xf32> to vector<512xf32>
    %broadcast_in_dim3A = vector.shape_cast %reduce_sum3A_21 : vector<512xf32> to vector<512x1xf32>
    %get3A_22 = arith.constant 0 : index
    %get3A_23 = arith.constant 0 : index
    %get3A_24 = vector.load %arg5[%get3A_22, %get3A_23] : memref<1x128xf32, #tpu.memory_space<vmem>>, vector<1x128xf32>
    %mul3A_25 = vector.broadcast %broadcast_in_dim3A : vector<512x1xf32> to vector<512x128xf32>
    %mul3A_26 = vector.broadcast %get3A_24 : vector<1x128xf32> to vector<512x128xf32>
    %mul3A_27 = arith.mulf %mul3A_25, %mul3A_26 : vector<512x128xf32>
    %add3A_28 = arith.addf %add3A, %mul3A_27 : vector<512x128xf32>
    %get3A_29 = arith.constant 0 : index
    %get3A_30 = arith.constant 0 : index
    %get3A_31 = vector.load %arg3[%get3A_29, %get3A_30] : memref<512x16xf32, #tpu.memory_space<vmem>>, vector<512x16xf32>
    %convert_element_type3A = arith.truncf %get3A_31 : vector<512x16xf32> to vector<512x16xbf16>
    %get3A_32 = arith.constant 0 : index
    %get3A_33 = arith.constant 0 : index
    %get3A_34 = vector.load %arg4[%get3A_32, %get3A_33] : memref<16x128xbf16, #tpu.memory_space<vmem>>, vector<16x128xbf16>
    %dot_general3A = arith.constant dense<0.000000e+00> : vector<512x128xf32>
    %dot_general3A_35 = tpu.matmul %convert_element_type3A, %get3A_34, %dot_general3A {dimension_numbers = #tpu.dot_dimension_numbers<[1], [0], [0], [1], [0, 0, 1, 1], [], []>, transpose_lhs_hint = false} : vector<512x16xbf16>, vector<16x128xbf16>, vector<512x128xf32> -> vector<512x128xf32>
    %add3A_36 = arith.addf %add3A_28, %dot_general3A_35 : vector<512x128xf32>
    %neg3A = arith.constant 0.000000e+00 : f32
    %neg3A_37 = vector.broadcast %neg3A : f32 to vector<512x128xf32>
    %neg3A_38 = arith.subf %neg3A_37, %add3A_36 : vector<512x128xf32>
    %exp3A = math.exp %neg3A_38 : vector<512x128xf32>
    %add3A_39 = arith.constant 1.000000e+00 : f32
    %add3A_40 = vector.broadcast %add3A_39 : f32 to vector<512x128xf32>
    %add3A_41 = arith.addf %add3A_40, %exp3A : vector<512x128xf32>
    %div3A = arith.divf %add3A_36, %add3A_41 : vector<512x128xf32>
    %convert_element_type3A_42 = arith.truncf %div3A : vector<512x128xf32> to vector<512x128xbf16>
    %get3A_43 = arith.constant 0 : index
    %get3A_44 = arith.constant 0 : index
    %get3A_45 = vector.load %arg6[%get3A_43, %get3A_44] : memref<128x128xbf16, #tpu.memory_space<vmem>>, vector<128x128xbf16>
    %dot_general3A_46 = arith.constant dense<0.000000e+00> : vector<512x128xf32>
    %dot_general3A_47 = tpu.matmul %convert_element_type3A_42, %get3A_45, %dot_general3A_46 {dimension_numbers = #tpu.dot_dimension_numbers<[1], [0], [0], [1], [0, 0, 1, 1], [], []>, transpose_lhs_hint = false} : vector<512x128xbf16>, vector<128x128xbf16>, vector<512x128xf32> -> vector<512x128xf32>
    %get3A_48 = arith.constant 0 : index
    %get3A_49 = arith.constant 0 : index
    %get3A_50 = vector.load %arg7[%get3A_48, %get3A_49] : memref<1x128xf32, #tpu.memory_space<vmem>>, vector<1x128xf32>
    %add3A_51 = vector.broadcast %get3A_50 : vector<1x128xf32> to vector<512x128xf32>
    %add3A_52 = arith.addf %dot_general3A_47, %add3A_51 : vector<512x128xf32>
    %neg3A_53 = arith.constant 0.000000e+00 : f32
    %neg3A_54 = vector.broadcast %neg3A_53 : f32 to vector<512x128xf32>
    %neg3A_55 = arith.subf %neg3A_54, %add3A_52 : vector<512x128xf32>
    %exp3A_56 = math.exp %neg3A_55 : vector<512x128xf32>
    %add3A_57 = arith.constant 1.000000e+00 : f32
    %add3A_58 = vector.broadcast %add3A_57 : f32 to vector<512x128xf32>
    %add3A_59 = arith.addf %add3A_58, %exp3A_56 : vector<512x128xf32>
    %div3A_60 = arith.divf %add3A_52, %add3A_59 : vector<512x128xf32>
    %convert_element_type3A_61 = arith.truncf %div3A_60 : vector<512x128xf32> to vector<512x128xbf16>
    %get3A_62 = arith.constant 0 : index
    %get3A_63 = arith.constant 0 : index
    %get3A_64 = vector.load %arg8[%get3A_62, %get3A_63] : memref<128x128xbf16, #tpu.memory_space<vmem>>, vector<128x128xbf16>
    %dot_general3A_65 = arith.constant dense<0.000000e+00> : vector<512x128xf32>
    %dot_general3A_66 = tpu.matmul %convert_element_type3A_61, %get3A_64, %dot_general3A_65 {dimension_numbers = #tpu.dot_dimension_numbers<[1], [0], [0], [1], [0, 0, 1, 1], [], []>, transpose_lhs_hint = false} : vector<512x128xbf16>, vector<128x128xbf16>, vector<512x128xf32> -> vector<512x128xf32>
    %get3A_67 = arith.constant 0 : index
    %get3A_68 = arith.constant 0 : index
    %get3A_69 = vector.load %arg9[%get3A_67, %get3A_68] : memref<1x128xf32, #tpu.memory_space<vmem>>, vector<1x128xf32>
    %add3A_70 = vector.broadcast %get3A_69 : vector<1x128xf32> to vector<512x128xf32>
    %add3A_71 = arith.addf %dot_general3A_66, %add3A_70 : vector<512x128xf32>
    %neg3A_72 = arith.constant 0.000000e+00 : f32
    %neg3A_73 = vector.broadcast %neg3A_72 : f32 to vector<512x128xf32>
    %neg3A_74 = arith.subf %neg3A_73, %add3A_71 : vector<512x128xf32>
    %exp3A_75 = math.exp %neg3A_74 : vector<512x128xf32>
    %add3A_76 = arith.constant 1.000000e+00 : f32
    %add3A_77 = vector.broadcast %add3A_76 : f32 to vector<512x128xf32>
    %add3A_78 = arith.addf %add3A_77, %exp3A_75 : vector<512x128xf32>
    %div3A_79 = arith.divf %add3A_71, %add3A_78 : vector<512x128xf32>
    %get3A_80 = arith.constant 0 : index
    %get3A_81 = arith.constant 0 : index
    %get3A_82 = vector.load %arg10[%get3A_80, %get3A_81] : memref<1x128xf32, #tpu.memory_space<vmem>>, vector<1x128xf32>
    %mul3A_83 = vector.broadcast %get3A_82 : vector<1x128xf32> to vector<512x128xf32>
    %mul3A_84 = arith.mulf %div3A_79, %mul3A_83 : vector<512x128xf32>
    %reduce_sum3A_85 = arith.constant dense<0.000000e+00> : vector<512xf32>
    %reduce_sum3A_86 = vector.multi_reduction <add>, %mul3A_84, %reduce_sum3A_85 [1] : vector<512x128xf32> to vector<512xf32>
    %broadcast_in_dim3A_87 = vector.shape_cast %reduce_sum3A_86 : vector<512xf32> to vector<512x1xf32>
    %mul3A_88 = vector.broadcast %broadcast_in_dim3A_87 : vector<512x1xf32> to vector<512x3xf32>
    %mul3A_89 = arith.mulf %sub3A, %mul3A_88 : vector<512x3xf32>
    %swap3A = arith.constant 0 : index
    %swap3A_90 = arith.constant 0 : index
    %swap3A_91 = vector.load %arg11[%swap3A, %swap3A_90] : memref<512x128xf32, #tpu.memory_space<vmem>>, vector<512x128xf32>
    tpu.vector_store %arg11[%swap3A, %swap3A_90], %div3A_60 {strides = array<i32>} : memref<512x128xf32, #tpu.memory_space<vmem>>, vector<512x128xf32>,
    %swap3A_92 = arith.constant 0 : index
    %swap3A_93 = arith.constant 0 : index
    %swap3A_94 = vector.load %arg12[%swap3A_92, %swap3A_93] : memref<512x128xf32, #tpu.memory_space<vmem>>, vector<512x3xf32>
    tpu.vector_store %arg12[%swap3A_92, %swap3A_93], %mul3A_89 {strides = array<i32>} : memref<512x128xf32, #tpu.memory_space<vmem>>, vector<512x3xf32>,
    %broadcast_in_dim3A_95 = arith.constant 1.000000e+00 : f32
    %broadcast_in_dim3A_96 = vector.broadcast %broadcast_in_dim3A_95 : f32 to vector<512x1xf32>
    %swap3A_97 = arith.constant 0 : index
    %swap3A_98 = arith.constant 3 : index
    %swap3A_99 = vector.load %arg12[%swap3A_97, %swap3A_98] : memref<512x128xf32, #tpu.memory_space<vmem>>, vector<512x1xf32>
    tpu.vector_store %arg12[%swap3A_97, %swap3A_98], %broadcast_in_dim3A_96 {strides = array<i32>} : memref<512x128xf32, #tpu.memory_space<vmem>>, vector<512x1xf32>,
    %broadcast_in_dim3A_100 = arith.constant 0.000000e+00 : f32
    %broadcast_in_dim3A_101 = vector.broadcast %broadcast_in_dim3A_100 : f32 to vector<512x124xf32>
    %swap3A_102 = arith.constant 0 : index
    %swap3A_103 = arith.constant 4 : index
    %swap3A_104 = vector.load %arg12[%swap3A_102, %swap3A_103] : memref<512x128xf32, #tpu.memory_space<vmem>>, vector<512x124xf32>
    tpu.vector_store %arg12[%swap3A_102, %swap3A_103], %broadcast_in_dim3A_101 {strides = array<i32>} : memref<512x128xf32, #tpu.memory_space<vmem>>, vector<512x124xf32>,
    return
  }
  func.func @transform_0(%arg0: i32) -> (i32, i32) {
    %c0_i32 = arith.constant 0 : i32
    %c0_i32_0 = arith.constant 0 : i32
    return %arg0, %c0_i32 : i32, i32
  }
  func.func @transform_1(%arg0: i32) -> (i32, i32) {
    %c0_i32 = arith.constant 0 : i32
    %c0_i32_0 = arith.constant 0 : i32
    return %arg0, %c0_i32 : i32, i32
  }
  func.func @transform_2(%arg0: i32) -> (i32, i32) {
    %c0_i32 = arith.constant 0 : i32
    %c0_i32_0 = arith.constant 0 : i32
    return %arg0, %c0_i32 : i32, i32
  }
  func.func @transform_3(%arg0: i32) -> (i32, i32) {
    %c0_i32 = arith.constant 0 : i32
    %c0_i32_0 = arith.constant 0 : i32
    %c0_i32_1 = arith.constant 0 : i32
    return %c0_i32, %c0_i32_0 : i32, i32
  }
  func.func @transform_4(%arg0: i32) -> (i32, i32) {
    %c0_i32 = arith.constant 0 : i32
    %c0_i32_0 = arith.constant 0 : i32
    %c0_i32_1 = arith.constant 0 : i32
    return %c0_i32, %c0_i32_0 : i32, i32
  }
  func.func @transform_5(%arg0: i32) -> (i32, i32) {
    %c0_i32 = arith.constant 0 : i32
    %c0_i32_0 = arith.constant 0 : i32
    %c0_i32_1 = arith.constant 0 : i32
    return %c0_i32, %c0_i32_0 : i32, i32
  }
  func.func @transform_6(%arg0: i32) -> (i32, i32) {
    %c0_i32 = arith.constant 0 : i32
    %c0_i32_0 = arith.constant 0 : i32
    %c0_i32_1 = arith.constant 0 : i32
    return %c0_i32, %c0_i32_0 : i32, i32
  }
  func.func @transform_7(%arg0: i32) -> (i32, i32) {
    %c0_i32 = arith.constant 0 : i32
    %c0_i32_0 = arith.constant 0 : i32
    %c0_i32_1 = arith.constant 0 : i32
    return %c0_i32, %c0_i32_0 : i32, i32
  }
  func.func @transform_8(%arg0: i32) -> (i32, i32) {
    %c0_i32 = arith.constant 0 : i32
    %c0_i32_0 = arith.constant 0 : i32
    %c0_i32_1 = arith.constant 0 : i32
    return %c0_i32, %c0_i32_0 : i32, i32
  }
  func.func @transform_9(%arg0: i32) -> (i32, i32) {
    %c0_i32 = arith.constant 0 : i32
    %c0_i32_0 = arith.constant 0 : i32
    %c0_i32_1 = arith.constant 0 : i32
    return %c0_i32, %c0_i32_0 : i32, i32
  }
  func.func @transform_10(%arg0: i32) -> (i32, i32) {
    %c0_i32 = arith.constant 0 : i32
    %c0_i32_0 = arith.constant 0 : i32
    return %arg0, %c0_i32 : i32, i32
  }
  func.func @transform_11(%arg0: i32) -> (i32, i32) {
    %c0_i32 = arith.constant 0 : i32
    %c0_i32_0 = arith.constant 0 : i32
    return %arg0, %c0_i32 : i32, i32
  }
}

module attributes {stable_mosaic.version = 14 : i64} {
  func.func @_k5_body(%arg0: i32, %arg1: memref<400x128xf32, #tpu.memory_space<vmem>>, %arg2: memref<400x128xf32, #tpu.memory_space<vmem>>, %arg3: memref<1x400x128xf32, #tpu.memory_space<vmem>>, %arg4: memref<1x400x128xf32, #tpu.memory_space<vmem>>, %arg5: memref<1x400x128xf32, #tpu.memory_space<vmem>>, %arg6: memref<1x400x128xf32, #tpu.memory_space<vmem>>, %arg7: memref<128x128xf32, #tpu.memory_space<vmem>>, %arg8: memref<128x128xf32, #tpu.memory_space<vmem>>, %arg9: memref<1x128xf32, #tpu.memory_space<vmem>>, %arg10: memref<128x128xf32, #tpu.memory_space<vmem>>, %arg11: memref<1x128xf32, #tpu.memory_space<vmem>>, %arg12: memref<400x128xf32, #tpu.memory_space<vmem>>, %arg13: memref<400x3xf32, #tpu.memory_space<vmem>>) attributes {dimension_semantics = [#tpu.dimension_semantics<arbitrary>], iteration_bounds = array<i64: 25>, scalar_prefetch = 0 : i64, scratch_operands = 0 : i64, tpu.core_type = #tpu.core_type<tc>, window_params = [{transform_indices = @transform_0, window_bounds = array<i64: 400, 128>}, {transform_indices = @transform_1, window_bounds = array<i64: 400, 128>}, {transform_indices = @transform_2, window_bounds = array<i64: 1, 400, 128>}, {transform_indices = @transform_3, window_bounds = array<i64: 1, 400, 128>}, {transform_indices = @transform_4, window_bounds = array<i64: 1, 400, 128>}, {transform_indices = @transform_5, window_bounds = array<i64: 1, 400, 128>}, {pipeline_mode = #tpu.pipeline_mode<synchronous>, transform_indices = @transform_6, window_bounds = array<i64: 128, 128>}, {pipeline_mode = #tpu.pipeline_mode<synchronous>, transform_indices = @transform_7, window_bounds = array<i64: 128, 128>}, {pipeline_mode = #tpu.pipeline_mode<synchronous>, transform_indices = @transform_8, window_bounds = array<i64: 1, 128>}, {pipeline_mode = #tpu.pipeline_mode<synchronous>, transform_indices = @transform_9, window_bounds = array<i64: 128, 128>}, {pipeline_mode = #tpu.pipeline_mode<synchronous>, transform_indices = @transform_10, window_bounds = array<i64: 1, 128>}, {transform_indices = @transform_11, window_bounds = array<i64: 400, 128>}, {transform_indices = @transform_12, window_bounds = array<i64: 400, 3>}]} {
    %get3A = arith.constant 0 : index
    %get3A_0 = arith.constant 0 : index
    %get3A_1 = arith.constant 0 : index
    %get3A_2 = vector.load %arg3[%get3A, %get3A_0, %get3A_1] : memref<1x400x128xf32, #tpu.memory_space<vmem>>, vector<1x400x128xf32>
    %get3A_3 = vector.shape_cast %get3A_2 : vector<1x400x128xf32> to vector<400x128xf32>
    %get3A_4 = arith.constant 0 : index
    %get3A_5 = arith.constant 0 : index
    %get3A_6 = arith.constant 0 : index
    %get3A_7 = vector.load %arg4[%get3A_4, %get3A_5, %get3A_6] : memref<1x400x128xf32, #tpu.memory_space<vmem>>, vector<1x400x128xf32>
    %get3A_8 = vector.shape_cast %get3A_7 : vector<1x400x128xf32> to vector<400x128xf32>
    %add3A = arith.addf %get3A_3, %get3A_8 : vector<400x128xf32>
    %get3A_9 = arith.constant 0 : index
    %get3A_10 = arith.constant 0 : index
    %get3A_11 = arith.constant 0 : index
    %get3A_12 = vector.load %arg5[%get3A_9, %get3A_10, %get3A_11] : memref<1x400x128xf32, #tpu.memory_space<vmem>>, vector<1x400x128xf32>
    %get3A_13 = vector.shape_cast %get3A_12 : vector<1x400x128xf32> to vector<400x128xf32>
    %get3A_14 = arith.constant 0 : index
    %get3A_15 = arith.constant 0 : index
    %get3A_16 = arith.constant 0 : index
    %get3A_17 = vector.load %arg6[%get3A_14, %get3A_15, %get3A_16] : memref<1x400x128xf32, #tpu.memory_space<vmem>>, vector<1x400x128xf32>
    %get3A_18 = vector.shape_cast %get3A_17 : vector<1x400x128xf32> to vector<400x128xf32>
    %add3A_19 = arith.addf %get3A_13, %get3A_18 : vector<400x128xf32>
    %slice3A = vector.extract_strided_slice %add3A_19 {offsets = [0, 0], sizes = [400, 3], strides = [1, 1]} : vector<400x128xf32> to vector<400x3xf32>
    %slice3A_20 = vector.extract_strided_slice %add3A_19 {offsets = [0, 3], sizes = [400, 1], strides = [1, 1]} : vector<400x128xf32> to vector<400x1xf32>
    %get3A_21 = arith.constant 0 : index
    %get3A_22 = arith.constant 0 : index
    %get3A_23 = vector.load %arg2[%get3A_21, %get3A_22] : memref<400x128xf32, #tpu.memory_space<vmem>>, vector<400x128xf32>
    %slice3A_24 = vector.extract_strided_slice %get3A_23 {offsets = [0, 0], sizes = [400, 3], strides = [1, 1]} : vector<400x128xf32> to vector<400x3xf32>
    %max3A = arith.constant 1.000000e+00 : f32
    %max3A_25 = vector.broadcast %max3A : f32 to vector<400x1xf32>
    %max3A_26 = arith.maximumf %slice3A_20, %max3A_25 : vector<400x1xf32>
    %div3A = vector.broadcast %max3A_26 : vector<400x1xf32> to vector<400x3xf32>
    %div3A_27 = arith.divf %slice3A, %div3A : vector<400x3xf32>
    %add3A_28 = arith.addf %slice3A_24, %div3A_27 : vector<400x3xf32>
    %swap3A = arith.constant 0 : index
    %swap3A_29 = arith.constant 0 : index
    %swap3A_30 = vector.load %arg13[%swap3A, %swap3A_29] : memref<400x3xf32, #tpu.memory_space<vmem>>, vector<400x3xf32>
    tpu.vector_store %arg13[%swap3A, %swap3A_29], %add3A_28 {strides = array<i32>} : memref<400x3xf32, #tpu.memory_space<vmem>>, vector<400x3xf32>,
    %get3A_31 = arith.constant 0 : index
    %get3A_32 = arith.constant 0 : index
    %get3A_33 = vector.load %arg1[%get3A_31, %get3A_32] : memref<400x128xf32, #tpu.memory_space<vmem>>, vector<400x128xf32>
    %get3A_34 = arith.constant 0 : index
    %get3A_35 = arith.constant 0 : index
    %get3A_36 = vector.load %arg7[%get3A_34, %get3A_35] : memref<128x128xf32, #tpu.memory_space<vmem>>, vector<128x128xf32>
    %dot_general3A = arith.constant dense<0.000000e+00> : vector<400x128xf32>
    %dot_general3A_37 = tpu.matmul %get3A_33, %get3A_36, %dot_general3A {dimension_numbers = #tpu.dot_dimension_numbers<[1], [0], [0], [1], [0, 0, 1, 1], [], []>, transpose_lhs_hint = false} : vector<400x128xf32>, vector<128x128xf32>, vector<400x128xf32> -> vector<400x128xf32>
    %get3A_38 = arith.constant 0 : index
    %get3A_39 = arith.constant 0 : index
    %get3A_40 = vector.load %arg8[%get3A_38, %get3A_39] : memref<128x128xf32, #tpu.memory_space<vmem>>, vector<128x128xf32>
    %dot_general3A_41 = arith.constant dense<0.000000e+00> : vector<400x128xf32>
    %dot_general3A_42 = tpu.matmul %add3A, %get3A_40, %dot_general3A_41 {dimension_numbers = #tpu.dot_dimension_numbers<[1], [0], [0], [1], [0, 0, 1, 1], [], []>, transpose_lhs_hint = false} : vector<400x128xf32>, vector<128x128xf32>, vector<400x128xf32> -> vector<400x128xf32>
    %add3A_43 = arith.addf %dot_general3A_37, %dot_general3A_42 : vector<400x128xf32>
    %get3A_44 = arith.constant 0 : index
    %get3A_45 = arith.constant 0 : index
    %get3A_46 = vector.load %arg9[%get3A_44, %get3A_45] : memref<1x128xf32, #tpu.memory_space<vmem>>, vector<1x128xf32>
    %add3A_47 = vector.broadcast %get3A_46 : vector<1x128xf32> to vector<400x128xf32>
    %add3A_48 = arith.addf %add3A_43, %add3A_47 : vector<400x128xf32>
    %neg3A = arith.constant 0.000000e+00 : f32
    %neg3A_49 = vector.broadcast %neg3A : f32 to vector<400x128xf32>
    %neg3A_50 = arith.subf %neg3A_49, %add3A_48 : vector<400x128xf32>
    %exp3A = math.exp %neg3A_50 : vector<400x128xf32>
    %add3A_51 = arith.constant 1.000000e+00 : f32
    %add3A_52 = vector.broadcast %add3A_51 : f32 to vector<400x128xf32>
    %add3A_53 = arith.addf %add3A_52, %exp3A : vector<400x128xf32>
    %div3A_54 = arith.divf %add3A_48, %add3A_53 : vector<400x128xf32>
    %get3A_55 = arith.constant 0 : index
    %get3A_56 = arith.constant 0 : index
    %get3A_57 = vector.load %arg10[%get3A_55, %get3A_56] : memref<128x128xf32, #tpu.memory_space<vmem>>, vector<128x128xf32>
    %dot_general3A_58 = arith.constant dense<0.000000e+00> : vector<400x128xf32>
    %dot_general3A_59 = tpu.matmul %div3A_54, %get3A_57, %dot_general3A_58 {dimension_numbers = #tpu.dot_dimension_numbers<[1], [0], [0], [1], [0, 0, 1, 1], [], []>, transpose_lhs_hint = false} : vector<400x128xf32>, vector<128x128xf32>, vector<400x128xf32> -> vector<400x128xf32>
    %add3A_60 = arith.addf %get3A_33, %dot_general3A_59 : vector<400x128xf32>
    %get3A_61 = arith.constant 0 : index
    %get3A_62 = arith.constant 0 : index
    %get3A_63 = vector.load %arg11[%get3A_61, %get3A_62] : memref<1x128xf32, #tpu.memory_space<vmem>>, vector<1x128xf32>
    %add3A_64 = vector.broadcast %get3A_63 : vector<1x128xf32> to vector<400x128xf32>
    %add3A_65 = arith.addf %add3A_60, %add3A_64 : vector<400x128xf32>
    %swap3A_66 = arith.constant 0 : index
    %swap3A_67 = arith.constant 0 : index
    %swap3A_68 = vector.load %arg12[%swap3A_66, %swap3A_67] : memref<400x128xf32, #tpu.memory_space<vmem>>, vector<400x128xf32>
    tpu.vector_store %arg12[%swap3A_66, %swap3A_67], %add3A_65 {strides = array<i32>} : memref<400x128xf32, #tpu.memory_space<vmem>>, vector<400x128xf32>,
    return
  }
  func.func @transform_0(%arg0: i32) -> (i32, i32) {
    %c0_i32 = arith.constant 0 : i32
    %c0_i32_0 = arith.constant 0 : i32
    return %arg0, %c0_i32 : i32, i32
  }
  func.func @transform_1(%arg0: i32) -> (i32, i32) {
    %c0_i32 = arith.constant 0 : i32
    %c0_i32_0 = arith.constant 0 : i32
    return %arg0, %c0_i32 : i32, i32
  }
  func.func @transform_2(%arg0: i32) -> (i32, i32, i32) {
    %c0_i32 = arith.constant 0 : i32
    %c0_i32_0 = arith.constant 0 : i32
    %c0_i32_1 = arith.constant 0 : i32
    return %c0_i32, %arg0, %c0_i32_0 : i32, i32, i32
  }
  func.func @transform_3(%arg0: i32) -> (i32, i32, i32) {
    %c1_i32 = arith.constant 1 : i32
    %c0_i32 = arith.constant 0 : i32
    %c0_i32_0 = arith.constant 0 : i32
    return %c1_i32, %arg0, %c0_i32 : i32, i32, i32
  }
  func.func @transform_4(%arg0: i32) -> (i32, i32, i32) {
    %c0_i32 = arith.constant 0 : i32
    %c0_i32_0 = arith.constant 0 : i32
    %c0_i32_1 = arith.constant 0 : i32
    return %c0_i32, %arg0, %c0_i32_0 : i32, i32, i32
  }
  func.func @transform_5(%arg0: i32) -> (i32, i32, i32) {
    %c1_i32 = arith.constant 1 : i32
    %c0_i32 = arith.constant 0 : i32
    %c0_i32_0 = arith.constant 0 : i32
    return %c1_i32, %arg0, %c0_i32 : i32, i32, i32
  }
  func.func @transform_6(%arg0: i32) -> (i32, i32) {
    %c0_i32 = arith.constant 0 : i32
    %c0_i32_0 = arith.constant 0 : i32
    %c0_i32_1 = arith.constant 0 : i32
    return %c0_i32, %c0_i32_0 : i32, i32
  }
  func.func @transform_7(%arg0: i32) -> (i32, i32) {
    %c0_i32 = arith.constant 0 : i32
    %c0_i32_0 = arith.constant 0 : i32
    %c0_i32_1 = arith.constant 0 : i32
    return %c0_i32, %c0_i32_0 : i32, i32
  }
  func.func @transform_8(%arg0: i32) -> (i32, i32) {
    %c0_i32 = arith.constant 0 : i32
    %c0_i32_0 = arith.constant 0 : i32
    %c0_i32_1 = arith.constant 0 : i32
    return %c0_i32, %c0_i32_0 : i32, i32
  }
  func.func @transform_9(%arg0: i32) -> (i32, i32) {
    %c0_i32 = arith.constant 0 : i32
    %c0_i32_0 = arith.constant 0 : i32
    %c0_i32_1 = arith.constant 0 : i32
    return %c0_i32, %c0_i32_0 : i32, i32
  }
  func.func @transform_10(%arg0: i32) -> (i32, i32) {
    %c0_i32 = arith.constant 0 : i32
    %c0_i32_0 = arith.constant 0 : i32
    %c0_i32_1 = arith.constant 0 : i32
    return %c0_i32, %c0_i32_0 : i32, i32
  }
  func.func @transform_11(%arg0: i32) -> (i32, i32) {
    %c0_i32 = arith.constant 0 : i32
    %c0_i32_0 = arith.constant 0 : i32
    return %arg0, %c0_i32 : i32, i32
  }
  func.func @transform_12(%arg0: i32) -> (i32, i32) {
    %c0_i32 = arith.constant 0 : i32
    %c0_i32_0 = arith.constant 0 : i32
    return %arg0, %c0_i32 : i32, i32
  }
}

</mosaic_0001>

<sc_bundles>
// kernel: kernel.10.cloned.1.call-start
scs
__scs_entry_jumppad:
0x0: {  	(pc) =	sbr.rel $0x88, $3  }
0x1: {  	(tag) =	ssettag $0x0;
	lr =	simm.s32 $0x1  }
0x2: {  	[smem:$0x3F92] =	sst lr;
	_ =	strace $0xD0000000  }
0x3: {  	_ = 	snop  }
0x4: {  	_ = 	snop  }
0x5: {  	_ = 	snop  }
0x6: {  	_ = 	snop  }
0x7: {  	_ = 	snop  }
__scs_overlays_trampoline_lowered:
0x8: {  	[smem:$0x3FA1] =	sst s0  }
0x9: {  	[smem:$0x3FA2] =	sst s1  }
0xa: {  	[smem:$0x3FA3] =	sst s2  }
0xb: {  	[smem:$0x3FA4] =	sst s3  }
0xc: {  	[smem:$0x3FA5] =	sst s4  }
0xd: {  	[smem:$0x3FA6] =	sst s5  }
0xe: {  	[smem:$0x3FA7] =	sst s6  }
0xf: {  	[smem:$0x3FA8] =	sst s7  }
0x10: {  	[smem:$0x3FA9] =	sst s8  }
0x11: {  	[smem:$0x3FAA] =	sst s9;
	s0 =	simm.s32 @!p0 $0x0  }
0x12: {  	s1 =	sld [smem:$0x3F90];
	s0 =	simm.s32 @p0 $0x1  }
0x13: {  	[smem:$0x3FAB] =	sst s0;
	s0 =	simm.s32 @!p1 $0x0  }
0x14: {  	s2 =	sld [smem:$0x3F8F];
	s0 =	simm.s32 @p1 $0x1  }
0x15: {  	[smem:$0x3FAC] =	sst s0;
	s0 =	simm.s32 @!p2 $0x0  }
0x16: {  	s3 =	sld [smem:$0x3FDB];
	s0 =	simm.s32 @p2 $0x1  }
0x17: {  	s4 =	simm.s32 $0x1BF5;
	[smem:$0x3FAE] =	sst s0  }
0x18: {  	s0 =	sld [smem:$0x3F91];
	_ =	swait.ge [sflag:s4], $0x0  }
0x19: {  	s7 =	sld [smem:$0x3F92]  }
0x1a: {  	s8 =	sadd.s32 $0xFFFFE003, lr  }
0x1b: {  	s9 =	sadd.s32 $0xFFFFFEF7, lr;
	s5 =	simm.s32 $0xFFFFFFFF;
	p2 =	slt.u32 s8, $0xFFFFF086  }
0x1c: {  	p1 =	slt.u32 s9, $0xF7A;
	s5 =	simm.s32 @!p2 $0x0  }
0x1d: {  	s5 =	simm.s32 @p1 $0x1;
	p0 =	seq.s32 s7, s2  }
0x1e: {  	s7 =	smul.u32 @!p0 $0xF7A, s2;
	p2 =	seq.s32 @!p0 s5, $0x0  }
0x1f: {  	s9 =	smul.u32 $0xF7A, s1;
	s8 =	simm.s32 @!p0 $0x1BF5;
	p2 =	por !p2, p0  }
0x20: {  	[sflag:s8] =	ssyncset.s32 @!p0 $0xFFFFF086;
	s6 =	sadd.s32 @!p0 s3, s7;
	s7 =	simm.s32 @!p0 $0x108  }
0x21: {  	s3 =	sadd.s32 s3, s9;
	s6 =	sadd.s32 @!p0 $0x88, s6;
	s7 =	simm.s32 @p2 $0x1082  }
0x22: {  	[simem:s7], [sflag:s8] =	dma.local @!p0 [hbm:s6], $0xF7A  }
0x23: {  	s9 =	sor.u32 $0xD0000000, s2;
	s6 =	simm.s32 $0x108;
	_ =	swait.ge @!p0 [sflag:s8], $0x0  }
0x24: {  	s3 =	sadd.s32 $0x88, s3;
	s6 =	simm.s32 @!p1 $0x1082;
	[sflag:s4] =	ssyncset.s32 $0xFFFFF086  }
0x25: {  	[simem:s6], [sflag:s4] =	dma.local [hbm:s3], $0xF7A  }
0x26: {  	[smem:$0x3F92] =	sst s1;
	(tag) =	ssettag s2;
	_ =	strace s9  }
0x27: {  	s1 =	sld [smem:$0x3FA2]  }
0x28: {  	s2 =	sld [smem:$0x3FA3]  }
0x29: {  	s4 =	sld [smem:$0x3FA5]  }
0x2a: {  	p0 =	seq.s32 s5, $0x0;
	s5 =	sld [smem:$0x3FA6]  }
0x2b: {  	s6 =	sld [smem:$0x3FA7]  }
0x2c: {  	s7 =	sld [smem:$0x3FA8]  }
0x2d: {  	s3 =	simm.s32 $0x108;
	s8 =	sld [smem:$0x3FA9]  }
0x2e: {  	s3 =	simm.s32 @!p0 $0x1082;
	s9 =	sld [smem:$0x3FAA]  }
0x2f: {  	lr =	sadd.s32 s0, s3;
	s0 =	sld [smem:$0x3FA1]  }
0x30: {  	s3 =	sld [smem:$0x3FA4]  }
0x31: {  	[smem:$0x3FAD] =	sst s10  }
0x32: {  	s10 =	sld [smem:$0x3FAB];
	_ =	sdelay $0x3  }
0x33: {  	p0 =	seq.s32 s10, $0x1;
	s10 =	sld [smem:$0x3FAD];
	_ =	sdelay $0x3  }
0x34: {  	[smem:$0x3FAD] =	sst s10  }
0x35: {  	s10 =	sld [smem:$0x3FAC];
	_ =	sdelay $0x3  }
0x36: {  	p1 =	seq.s32 s10, $0x1;
	s10 =	sld [smem:$0x3FAD];
	_ =	sdelay $0x3  }
0x37: {  	[smem:$0x3FAD] =	sst s10  }
0x38: {  	s10 =	sld [smem:$0x3FAE]  }
0x39: {  	_ = 	snop;
	(pc) =	sbr.ind lr, $3  }
0x3a: {  	_ = 	snop  }
0x3b: {  	_ = 	snop  }
0x3c: {  	p2 =	seq.s32 s10, $0x1;
	s10 =	sld [smem:$0x3FAD]  }
0x3d: {  	_ =	shalt  }
0x3e: {  	_ =	shalt  }
0x3f: {  	_ =	shalt  }
0x40: {  	_ =	shalt  }
0x41: {  	_ =	shalt  }
0x42: {  	_ =	shalt  }
0x43: {  	_ =	shalt  }
0x44: {  	_ =	shalt  }
0x45: {  	_ =	shalt  }
0x46: {  	_ =	shalt  }
0x47: {  	_ =	shalt  }
0x48: {  	_ =	shalt  }
0x49: {  	_ =	shalt  }
0x4a: {  	_ =	shalt  }
0x4b: {  	_ =	shalt  }
0x4c: {  	_ =	shalt  }
0x4d: {  	_ =	shalt  }
0x4e: {  	_ =	shalt  }
0x4f: {  	_ =	shalt  }
0x50: {  	_ =	shalt  }
0x51: {  	_ =	shalt  }
0x52: {  	_ =	shalt  }
0x53: {  	_ =	shalt  }
0x54: {  	_ =	shalt  }
0x55: {  	_ =	shalt  }
0x56: {  	_ =	shalt  }
0x57: {  	_ =	shalt  }
0x58: {  	_ =	shalt  }
0x59: {  	_ =	shalt  }
0x5a: {  	_ =	shalt  }
0x5b: {  	_ =	shalt  }
0x5c: {  	_ =	shalt  }
0x5d: {  	_ =	shalt  }
0x5e: {  	_ =	shalt  }
0x5f: {  	_ =	shalt  }
0x60: {  	_ =	shalt  }
0x61: {  	_ =	shalt  }
0x62: {  	_ =	shalt  }
0x63: {  	_ =	shalt  }
0x64: {  	_ =	shalt  }
0x65: {  	_ =	shalt  }
0x66: {  	_ =	shalt  }
0x67: {  	_ =	shalt  }
0x68: {  	_ =	shalt  }
0x69: {  	_ =	shalt  }
0x6a: {  	_ =	shalt  }
0x6b: {  	_ =	shalt  }
0x6c: {  	_ =	shalt  }
0x6d: {  	_ =	shalt  }
0x6e: {  	_ =	shalt  }
0x6f: {  	_ =	shalt  }
0x70: {  	_ =	shalt  }
0x71: {  	_ =	shalt  }
0x72: {  	_ =	shalt  }
0x73: {  	_ =	shalt  }
0x74: {  	_ =	shalt  }
0x75: {  	_ =	shalt  }
0x76: {  	_ =	shalt  }
0x77: {  	_ =	shalt  }
0x78: {  	_ =	shalt  }
0x79: {  	_ =	shalt  }
0x7a: {  	_ =	shalt  }
0x7b: {  	_ =	shalt  }
0x7c: {  	_ =	shalt  }
0x7d: {  	_ =	shalt  }
0x7e: {  	_ =	shalt  }
0x7f: {  	_ =	shalt  }
0x80: {  	_ =	shalt  }
0x81: {  	_ =	shalt  }
0x82: {  	_ =	shalt  }
0x83: {  	_ =	shalt  }
0x84: {  	_ =	shalt  }
0x85: {  	_ =	shalt  }
0x86: {  	_ =	shalt  }
0x87: {  	_ =	shalt  }
.Lfunc_end0:
.L_simem_size_0:
called_computation.1_lowered:
.L_overlay_start_0:
0x88: {  	s2 =	sld [smem:$0x3FD9]  }
0x89: {  	s3 =	sld [smem:$0x3FFE];
	_ =	sdelay $0x1  }
0x8a: {  	s1 =	srdreg.scid  }
0x8b: {  	s0 =	sand.u32 $0x1, s1  }
0x8c: {  	s14 =	sshll.u32 s0, $0xA;
	s2 =	sadd.s32 s3, s2  }
0x8d: {  	s2 =	sadd.s32 s2, s14  }
0x8e: {  	[smem:$0x3FB9] =	sst s2  }
0x8f: {  	_ = 	snop  }
0x90: {  	s2 =	sld [smem:$0x3FD0];
	_ =	sdelay $0x2  }
0x91: {  	s15 =	simm.s32 $0xA;
	s4 =	simm.s32 $0x10  }
0x92: {  	[smem:s4], [sflag:s15] =	dma.local [hbm:s2], $0x1  }
0x93: {  	_ =	swait.eq [sflag:s15], $0x1  }
0x94: {  	s16 =	sld [smem:$0x11];
	[sflag:s15] =	ssyncset.done $0x0  }
0x95: {  	s17 =	sld [smem:$0x12];
	[sflag:s15] =	ssyncadd.s32 $0xFFFFFFFF  }
0x96: {  	s18 =	sld [smem:$0x13];
	(tm) =	ssettm $0x1  }
0x97: {  	s5 =	sld [smem:$0x3FFB];
	_ =	sdelay $0x3  }
0x98: {  	_ =	strace s5  }
0x99: {  	s5 =	sld [smem:$0x3FFC];
	_ =	sdelay $0x3  }
0x9a: {  	_ =	strace s5  }
0x9b: {  	s5 =	sld [smem:$0x3FFD];
	_ =	sdelay $0x3  }
0x9c: {  	_ =	strace s5  }
0x9d: {  	_ =	strace $0x8FFFFFFF  }
0x9e: {  	s19 =	sld [smem:$0x3FDB];
	_ =	sdelay $0x1  }
0x9f: {  	s6 =	simm.s32 $_scs_section_size  }
0xa0: {  	s7 =	simm.s32 $_size__tile_overlayer_lowered;
	s8 =	simm.s32 $_tile_overlayer_lowered  }
0xa1: {  	s22 =	simm.s32 $0x1BFF;
	s21 =	sshll.u32 s8, $0x1;
	s5 =	sadd.s32 s6, s19  }
0xa2: {  	s9 =	simm.s32 $0x0;
	s20 =	sshll.u32 s7, $0x1;
	s7 =	sadd.s32 s21, s5  }
0xa3: {  	[timem:s9], [sflag:s22] =	dma.local [hbm:s7], s20  }
0xa4: {  	_ =	swait.ge [sflag:s22], s20  }
0xa5: {  	s6 =	ssub.s32 $0x0, s20;
	[sflag:s22] =	ssyncset.done $0x0  }
0xa6: {  	[sflag:s22] =	ssyncadd.s32 s6;
	_ =	sdelay $0x1  }
0xa7: {  	s23 =	simm.s32 $0x1B8B  }
0xa8: {  	_ =	swait.ge [sflag:s23], $0x1  }
0xa9: {  	[sflag:s23] =	ssyncset.done $0x0  }
0xaa: {  	s25 =	simm.s32 $0x1B8E;
	s24 =	sld [smem:$0x3FFE];
	[sflag:s23] =	ssyncadd.s32 $0xFFFFFFFF  }
0xab: {  	s26 =	simm.s32 $execute0_lowered;
	[smem:$0x3FD2] =	sst s25  }
0xac: {  	s7 =	sshll.u32 s26, $0x1;
	_ =	strace $0x80000054;
	[dreg:$0x1] =	wrdreg $0xFFFFFFFF  }
0xad: {  	s28 =	simm.s32 $_size_execute0_lowered;
	s5 =	sadd.s32 s5, s7;
	[dreg:$0x0] =	wrdreg $0x0  }
0xae: {  	s7 =	sshll.u32 s28, $0x1;
	[dreg:$0x2] =	wrdreg s5  }
0xaf: {  	[dreg:$0x3] =	wrdreg s7  }
0xb0: {  	[dreg:$0x4] =	wrdreg $0xC0  }
0xb1: {  	_ =	task [dreg:s9], $0x5FFFF  }
0xb2: {  	[dreg:$0x1] =	wrdreg $0xFFFFFFFF  }
0xb3: {  	[dreg:$0x0] =	wrdreg $0x60  }
0xb4: {  	[dreg:$0x2] =	wrdreg s24  }
0xb5: {  	[dreg:$0x3] =	wrdreg s18  }
0xb6: {  	[dreg:$0x4] =	wrdreg s16  }
0xb7: {  	[dreg:$0x5] =	wrdreg s17  }
0xb8: {  	[dreg:$0x6] =	wrdreg $0x40800  }
0xb9: {  	[dreg:$0x7] =	wrdreg $0x9  }
0xba: {  	_ =	task.clear_ibuf [dreg:s9], $0x8FFFF;
	_ =	strace $0x90000054  }
0xbb: {  	s29 =	simm.s32 $0x9;
	_ =	strace $0x80000056  }
0xbc: {  	_ =	swait.ge [sflag:s29], $0x1  }
0xbd: {  	[sflag:s29] =	ssyncadd.s32 $0xFFFFFFFF  }
0xbe: {  	_ =	strace $0x90000056  }
0xbf: {  	_ =	sfence  }
0xc0: {  	s30 =	sld [smem:$0x0];
	_ =	sdelay $0x2  }
0xc1: {  	s31 =	sshll.u32 s1, $0xD;
	s1 =	sshrl.u32 s1, $0x2  }
0xc2: {  	s3 =	sand.u32 $0x4000, s31;
	s1 =	sadd.s32 s1, s30  }
0xc3: {  	s0 =	sor.u32 s3, s0;
	s1 =	sshll.u32 s1, $0x11  }
0xc4: {  	s0 =	sor.u32 s1, s0  }
0xc5: {  	s0 =	sadd.s32 $0x8F2B, s0  }
0xc6: {  	[sflag:s0] =	ssyncadd.remote.s32 $0x1  }
0xc7: {  	_ =	sfence.sel $0xFFFF  }
0xc8: {  	[dreg:$0x0] =	wrdreg $0xFFFFFFFF;
	(pc) =	sbr.abs _section_cstart, $3  }
0xc9: {  	[dreg:$0x1] =	wrdreg $0xFFFFFFFF  }
0xca: {  	_ =	task.clear_ibuf [dreg:s9], $0x2FFFF;
	_ =	strace $0x9FFFFFFF  }
0xcb: {  	(tm) =	ssettm $0x7FFFFFFF  }
tec
execute0_lowered:
.L_overlay_start_1:
0x0: {  	(tag) =	ssettag $0x1  }
0x1: {  	s0 =	rddreg [dreg:$0x0]  }
0x2: {  	s1 =	rddreg [dreg:$0x1]  }
0x3: {  	s2 =	srdreg.scid;
	s4 =	rddreg [dreg:$0x3]  }
0x4: {  	s18 =	stileid.u32;
	s3 =	rddreg [dreg:$0x4]  }
0x5: {  	s31 =	simm.s32 $0x80;
	s2 =	sand.u32 $0x1, s2;
	s5 =	smul.u32 $0x280, s18  }
0x6: {  	s14 =	sadd.s32 $0x18E00, s0;
	s7 =	smul.u32 $0x2800, s2;
	s6 =	ssub.s32 $0x2, s2  }
0x7: {  	s10 =	smul.u32 $0x4F00, s2;
	s8 =	sshrl.u32 s6, $0x1;
	s21 =	sadd.s32 $0x80, s5  }
0x8: {  	s22 =	sadd.s32 $0x100, s5;
	s23 =	sadd.s32 $0x180, s5;
	s9 =	sadd.s32 s7, s5  }
0x9: {  	s20 =	ssub.s32 s6, s8;
	s16 =	sadd.s32 s7, s21;
	s19 =	sadd.s32 s7, s22  }
0xa: {  	s24 =	sadd.s32 s7, s23;
	s5 =	sadd.s32 $0x200, s5;
	s10 =	sadd.s32 s10, s0  }
0xb: {  	s21 =	sshll.u32 s21, $0x7;
	s11 =	sshll.u32 s16, $0x4;
	s16 =	smul.u32 $0x278000, s2  }
0xc: {  	s9 =	sshll.u32 s9, $0x4;
	s12 =	sshll.u32 s19, $0x4;
	s2 =	smul.u32 $0x4F0, s2  }
0xd: {  	s13 =	sshll.u32 s24, $0x4;
	s25 =	sadd.s32 s7, s5;
	s7 =	smul.u32 $0x4F, s18  }
0xe: {  	s19 =	smul.u32 $0x50000, s18;
	s20 =	smax.u32 s20, $0x1;
	s21 =	sadd.s32 s21, s3  }
0xf: {  	s24 =	sshll.u32 s22, $0x7;
	s17 =	sadd.s32 s4, s9;
	s6 =	sadd.s32 s4, s11  }
0x10: {  	s26 =	sadd.s32 s4, s13;
	s15 =	sshll.u32 s25, $0x4;
	s9 =	sadd.s32 s14, s9  }
0x11: {  	s11 =	sadd.s32 s14, s11;
	s13 =	sadd.s32 s14, s13;
	[dreg:$0x6] =	wrdreg s17  }
0x12: {  	s25 =	sshll.u32 s23, $0x7;
	s22 =	sadd.s32 s24, s3;
	[dreg:$0x7] =	wrdreg s6  }
0x13: {  	s6 =	sadd.s32 s4, s12;
	[dreg:$0x9] =	wrdreg s26;
	s8 =	sadd.s32 s4, s15  }
0x14: {  	s12 =	sadd.s32 s14, s12;
	s17 =	smul.u32 $0x4F0, s18;
	s14 =	sadd.s32 s14, s15  }
0x15: {  	s19 =	sshrl.u32 s19, $0x2;
	s23 =	sadd.s32 s25, s3;
	s26 =	sshll.u32 s5, $0x7  }
0x16: {  	[dreg:$0x8] =	wrdreg s6;
	s6 =	smul.u32 $0x27800, s18;
	s18 =	sadd.s32 $0xEE4C00, s0  }
0x17: {  	s19 =	sadd.s32 s19, s3;
	s24 =	sadd.s32 s26, s3;
	s0 =	simm.s32 $0x0  }
0x18: {  	s10 =	sadd.s32 s17, s10;
	s17 =	sadd.s32 s7, s2;
	s26 =	sadd.s32 $0x4000, s19  }
0x19: {  	s28 =	sadd.s32 $0x8000, s19;
	s15 =	sadd.s32 s6, s16;
	s16 =	simm.s32 $0x0  }
0x1a: {  	s29 =	sadd.s32 $0xC000, s19;
	s30 =	sadd.s32 $0x10000, s19;
	[smem:$0x7FF] =	sst s16  }
0x1b: {  	s25 =	sadd.s32 $0xF000, s10;
	s10 =	simm.s32 $0x1;
	_ =	strace $0x80000055  }
.LBB2_1:
0x1c: {  	s2 =	rddreg [dreg:$0x2]  }
0x1d: {  	[tilespmem:s31], [sflag:$0x1] =	stream.linear.gather [hbm4b:s2+s16], $0x4000, $0x38;
	[tilespmem:$0x18080] =	vst v63  }
0x1e: {  	_ =	swait.ge [sflag:s10], $0x4000  }
0x1f: {  	[sflag:s10] =	ssyncset.done $0x0  }
0x20: {  	[sflag:s10] =	ssyncadd.s32 $0xFFFFC000  }
0x21: {  	[spmem:s19] =	stream.linear.scatter [tilespmem:s31], [sflag:$0x1], $0x4000, $0x38;
	[tilespmem:$0x18080] =	vst v63  }
0x22: {  	_ =	swait.ge [sflag:s10], $0x4000  }
0x23: {  	[sflag:s10] =	ssyncset.done $0x0  }
0x24: {  	[sflag:s10] =	ssyncadd.s32 $0xFFFFC000  }
0x25: {  	[spmem:s26] =	stream.linear.scatter [tilespmem:s31], [sflag:$0x1], $0x4000, $0x38;
	[tilespmem:$0x18080] =	vst v63  }
0x26: {  	_ =	swait.ge [sflag:s10], $0x4000  }
0x27: {  	[sflag:s10] =	ssyncset.done $0x0  }
0x28: {  	[sflag:s10] =	ssyncadd.s32 $0xFFFFC000  }
0x29: {  	[spmem:s28] =	stream.linear.scatter [tilespmem:s31], [sflag:$0x1], $0x4000, $0x38;
	[tilespmem:$0x18080] =	vst v63  }
0x2a: {  	_ =	swait.ge [sflag:s10], $0x4000  }
0x2b: {  	[sflag:s10] =	ssyncset.done $0x0  }
0x2c: {  	[sflag:s10] =	ssyncadd.s32 $0xFFFFC000  }
0x2d: {  	[spmem:s29] =	stream.linear.scatter [tilespmem:s31], [sflag:$0x1], $0x4000, $0x38;
	[tilespmem:$0x18080] =	vst v63  }
0x2e: {  	_ =	swait.ge [sflag:s10], $0x4000  }
0x2f: {  	[sflag:s10] =	ssyncset.done $0x0  }
0x30: {  	[sflag:s10] =	ssyncadd.s32 $0xFFFFC000  }
0x31: {  	[spmem:s30] =	stream.linear.scatter [tilespmem:s31], [sflag:$0x1], $0x4000, $0x38;
	[tilespmem:$0x18080] =	vst v63  }
0x32: {  	_ =	swait.ge [sflag:s10], $0x4000  }
0x33: {  	[sflag:s10] =	ssyncset.done $0x0  }
0x34: {  	[sflag:s10] =	ssyncadd.s32 $0xFFFFC000  }
0x35: {  	s7 =	sadd.s32 $0x0, s17;
	[bflag:$0x0] =	sbarrier.arrive $0xFFFF  }
0x36: {  	[tilespmem:s16], [sflag:$0x1] =	stream.linear.gather [hbm4b:s25+s16], $0x80, $0x38;
	[tilespmem:$0x18080] =	vst v63  }
0x37: {  	p0 =	slt.u32 s7, $0x9C4;
	s2 =	smov.u32 s15;
	_ =	swait.ge [sflag:s10], $0x80  }
0x38: {  	s2 =	simm.s32 @!p0 $0x0;
	[sflag:s10] =	ssyncset.done $0x0  }
0x39: {  	s2 =	sadd.s32 s1, s2;
	[sflag:s10] =	ssyncadd.s32 $0xFFFFFF80  }
0x3a: {  	[tilespmem:s31], [sflag:$0x1] =	stream.linear.gather [hbm4b:s2+s16], $0x4000, $0x38;
	[tilespmem:$0x18080] =	vst v63  }
0x3b: {  	_ =	swait.ge [sflag:s10], $0x4000  }
0x3c: {  	[sflag:s10] =	ssyncset.done $0x0  }
0x3d: {  	[sflag:s10] =	ssyncadd.s32 $0xFFFFC000  }
0x3e: {  	[spmem:s3] =	stream.indirect.scatter.add.f32 [tilespmem:s31], [sflag:$0x1], $0x80, s16, s31, $0xb8;
	[tilespmem:$0x18080] =	vst v63  }
0x3f: {  	s5 =	simm.s32 $0x1;
	_ =	swait.ge [sflag:s10], $0x4000  }
0x40: {  	s4 =	sadd.s32 $0x10, s25;
	s2 =	sadd.s32 $0x800, s15;
	[sflag:s10] =	ssyncset.done $0x0  }
.LBB2_2:
0x41: {  	s6 =	sadd.s32 s5, s17;
	s7 =	smov.u32 s5  }
0x42: {  	[sflag:s10] =	ssyncadd.s32 $0xFFFFC000;
	p0 =	sne.s32 s5, $0x4E;
	s7 =	sadd.s32 $0x1, s5  }
0x43: {  	[tilespmem:s16], [sflag:$0x1] =	stream.linear.gather [hbm4b:s4+s16], $0x80, $0x38;
	[tilespmem:$0x18080] =	vst v63  }
0x44: {  	p1 =	slt.u32 s6, $0x9C4;
	s5 =	smov.u32 s2;
	_ =	swait.ge [sflag:s10], $0x80  }
0x45: {  	s5 =	simm.s32 @!p1 $0x0;
	[sflag:s10] =	ssyncset.done $0x0  }
0x46: {  	s5 =	sadd.s32 s1, s5;
	[sflag:s10] =	ssyncadd.s32 $0xFFFFFF80  }
0x47: {  	[tilespmem:s31], [sflag:$0x1] =	stream.linear.gather [hbm4b:s5+s16], $0x4000, $0x38;
	[tilespmem:$0x18080] =	vst v63  }
0x48: {  	_ =	swait.ge [sflag:s10], $0x4000  }
.Ltmp0:
0x49: {  	[sflag:s10] =	ssyncset.done $0x0;
	(pc) =	sbr.rel @p0 .LBB2_2-.Ltmp0, $4  }
0x4a: {  	[sflag:s10] =	ssyncadd.s32 $0xFFFFC000  }
0x4b: {  	[spmem:s3] =	stream.indirect.scatter.add.f32 [tilespmem:s31], [sflag:$0x1], $0x80, s16, s31, $0xb8;
	[tilespmem:$0x18080] =	vst v63  }
0x4c: {  	s2 =	sadd.s32 $0x800, s2;
	_ =	swait.ge [sflag:s10], $0x4000  }
0x4d: {  	s4 =	sadd.s32 $0x10, s4;
	s5 =	smov.u32 s7;
	[sflag:s10] =	ssyncset.done $0x0  }
0x4e: {  	[sflag:s10] =	ssyncadd.s32 $0xFFFFC000  }
0x4f: {  	[bflag:$0x0] =	sbarrier.arrive $0xFFFF  }
0x50: {  	[tilespmem:s31], [sflag:$0x1] =	stream.linear.gather [spmem:s19], $0x4000, $0x38;
	[tilespmem:$0x18080] =	vst v63  }
0x51: {  	_ =	swait.ge [sflag:s10], $0x4000  }
0x52: {  	[sflag:s10] =	ssyncset.done $0x0  }
0x53: {  	s2 =	simm.s32 $0x0;
	s4 =	rddreg [dreg:$0x6];
	[sflag:s10] =	ssyncadd.s32 $0xFFFFC000  }
0x54: {  	[hbm4b:s4+s2] =	stream.linear.scatter [tilespmem:s31], [sflag:$0x1], $0x4000, $0x38;
	[tilespmem:$0x18080] =	vst v63  }
0x55: {  	_ =	swait.ge [sflag:s10], $0x4000  }
0x56: {  	[sflag:s10] =	ssyncset.done $0x0  }
0x57: {  	[sflag:s10] =	ssyncadd.s32 $0xFFFFC000  }
0x58: {  	[tilespmem:s31], [sflag:$0x1] =	stream.linear.gather [spmem:s21], $0x4000, $0x38;
	[tilespmem:$0x18080] =	vst v63  }
0x59: {  	_ =	swait.ge [sflag:s10], $0x4000  }
0x5a: {  	[sflag:s10] =	ssyncset.done $0x0  }
0x5b: {  	s6 =	rddreg [dreg:$0x7];
	[sflag:s10] =	ssyncadd.s32 $0xFFFFC000  }
0x5c: {  	[hbm4b:s6+s2] =	stream.linear.scatter [tilespmem:s31], [sflag:$0x1], $0x4000, $0x38;
	[tilespmem:$0x18080] =	vst v63  }
0x5d: {  	_ =	swait.ge [sflag:s10], $0x4000  }
0x5e: {  	[sflag:s10] =	ssyncset.done $0x0  }
0x5f: {  	[sflag:s10] =	ssyncadd.s32 $0xFFFFC000  }
0x60: {  	[tilespmem:s31], [sflag:$0x1] =	stream.linear.gather [spmem:s22], $0x4000, $0x38;
	[tilespmem:$0x18080] =	vst v63  }
0x61: {  	_ =	swait.ge [sflag:s10], $0x4000  }
0x62: {  	[sflag:s10] =	ssyncset.done $0x0  }
0x63: {  	s7 =	rddreg [dreg:$0x8];
	[sflag:s10] =	ssyncadd.s32 $0xFFFFC000  }
0x64: {  	[hbm4b:s7+s2] =	stream.linear.scatter [tilespmem:s31], [sflag:$0x1], $0x4000, $0x38;
	[tilespmem:$0x18080] =	vst v63  }
0x65: {  	_ =	swait.ge [sflag:s10], $0x4000  }
0x66: {  	[sflag:s10] =	ssyncset.done $0x0  }
0x67: {  	[sflag:s10] =	ssyncadd.s32 $0xFFFFC000  }
0x68: {  	[tilespmem:s31], [sflag:$0x1] =	stream.linear.gather [spmem:s23], $0x4000, $0x38;
	[tilespmem:$0x18080] =	vst v63  }
0x69: {  	_ =	swait.ge [sflag:s10], $0x4000  }
0x6a: {  	[sflag:s10] =	ssyncset.done $0x0  }
0x6b: {  	s5 =	rddreg [dreg:$0x9];
	[sflag:s10] =	ssyncadd.s32 $0xFFFFC000  }
0x6c: {  	[hbm4b:s5+s2] =	stream.linear.scatter [tilespmem:s31], [sflag:$0x1], $0x4000, $0x38;
	[tilespmem:$0x18080] =	vst v63  }
0x6d: {  	_ =	swait.ge [sflag:s10], $0x4000  }
0x6e: {  	[sflag:s10] =	ssyncset.done $0x0  }
0x6f: {  	[sflag:s10] =	ssyncadd.s32 $0xFFFFC000  }
0x70: {  	[tilespmem:s31], [sflag:$0x1] =	stream.linear.gather [spmem:s24], $0x4000, $0x38;
	[tilespmem:$0x18080] =	vst v63  }
0x71: {  	_ =	swait.ge [sflag:s10], $0x4000  }
0x72: {  	[sflag:s10] =	ssyncset.done $0x0  }
0x73: {  	[sflag:s10] =	ssyncadd.s32 $0xFFFFC000  }
0x74: {  	[hbm4b:s8+s2] =	stream.linear.scatter [tilespmem:s31], [sflag:$0x1], $0x4000, $0x38;
	[tilespmem:$0x18080] =	vst v63  }
0x75: {  	_ =	swait.ge [sflag:s10], $0x4000  }
0x76: {  	[sflag:s10] =	ssyncset.done $0x0  }
0x77: {  	[sflag:s10] =	ssyncadd.s32 $0xFFFFC000  }
0x78: {  	s6 =	rddreg [dreg:$0x2]  }
0x79: {  	[tilespmem:s31], [sflag:$0x1] =	stream.linear.gather [hbm4b:s6+s2], $0x4000, $0x38;
	[tilespmem:$0x18080] =	vst v63  }
0x7a: {  	_ =	swait.ge [sflag:s10], $0x4000  }
0x7b: {  	[sflag:s10] =	ssyncset.done $0x0  }
0x7c: {  	[sflag:s10] =	ssyncadd.s32 $0xFFFFC000  }
0x7d: {  	[spmem:s19] =	stream.linear.scatter [tilespmem:s31], [sflag:$0x1], $0x4000, $0x38;
	[tilespmem:$0x18080] =	vst v63  }
0x7e: {  	_ =	swait.ge [sflag:s10], $0x4000  }
0x7f: {  	[sflag:s10] =	ssyncset.done $0x0  }
0x80: {  	[sflag:s10] =	ssyncadd.s32 $0xFFFFC000  }
0x81: {  	[spmem:s26] =	stream.linear.scatter [tilespmem:s31], [sflag:$0x1], $0x4000, $0x38;
	[tilespmem:$0x18080] =	vst v63  }
0x82: {  	_ =	swait.ge [sflag:s10], $0x4000  }
0x83: {  	[sflag:s10] =	ssyncset.done $0x0  }
0x84: {  	[sflag:s10] =	ssyncadd.s32 $0xFFFFC000  }
0x85: {  	[spmem:s28] =	stream.linear.scatter [tilespmem:s31], [sflag:$0x1], $0x4000, $0x38;
	[tilespmem:$0x18080] =	vst v63  }
0x86: {  	_ =	swait.ge [sflag:s10], $0x4000  }
0x87: {  	[sflag:s10] =	ssyncset.done $0x0  }
0x88: {  	[sflag:s10] =	ssyncadd.s32 $0xFFFFC000  }
0x89: {  	[spmem:s29] =	stream.linear.scatter [tilespmem:s31], [sflag:$0x1], $0x4000, $0x38;
	[tilespmem:$0x18080] =	vst v63  }
0x8a: {  	_ =	swait.ge [sflag:s10], $0x4000  }
0x8b: {  	[sflag:s10] =	ssyncset.done $0x0  }
0x8c: {  	[sflag:s10] =	ssyncadd.s32 $0xFFFFC000  }
0x8d: {  	[spmem:s30] =	stream.linear.scatter [tilespmem:s31], [sflag:$0x1], $0x4000, $0x38;
	[tilespmem:$0x18080] =	vst v63  }
0x8e: {  	_ =	swait.ge [sflag:s10], $0x4000  }
0x8f: {  	[sflag:s10] =	ssyncset.done $0x0  }
0x90: {  	[sflag:s10] =	ssyncadd.s32 $0xFFFFC000  }
0x91: {  	s7 =	sadd.s32 $0x0, s17;
	[bflag:$0x0] =	sbarrier.arrive $0xFFFF  }
0x92: {  	[tilespmem:s16], [sflag:$0x1] =	stream.linear.gather [hbm4b:s25+s16], $0x80, $0x38;
	[tilespmem:$0x18080] =	vst v63  }
0x93: {  	p0 =	slt.u32 s7, $0x9C4;
	s2 =	smov.u32 s15;
	_ =	swait.ge [sflag:s10], $0x80  }
0x94: {  	s2 =	simm.s32 @!p0 $0x0;
	[sflag:s10] =	ssyncset.done $0x0  }
0x95: {  	s2 =	sadd.s32 s18, s2;
	[sflag:s10] =	ssyncadd.s32 $0xFFFFFF80  }
0x96: {  	[tilespmem:s31], [sflag:$0x1] =	stream.linear.gather [hbm4b:s2+s16], $0x4000, $0x38;
	[tilespmem:$0x18080] =	vst v63  }
0x97: {  	_ =	swait.ge [sflag:s10], $0x4000  }
0x98: {  	[sflag:s10] =	ssyncset.done $0x0  }
0x99: {  	[sflag:s10] =	ssyncadd.s32 $0xFFFFC000  }
0x9a: {  	[spmem:s3] =	stream.indirect.scatter.add.f32 [tilespmem:s31], [sflag:$0x1], $0x80, s16, s31, $0xb8;
	[tilespmem:$0x18080] =	vst v63  }
0x9b: {  	s4 =	sadd.s32 $0x10, s25;
	_ =	swait.ge [sflag:s10], $0x4000  }
0x9c: {  	s5 =	simm.s32 $0x1;
	s2 =	sadd.s32 $0x800, s15;
	[sflag:s10] =	ssyncset.done $0x0  }
.LBB2_4:
0x9d: {  	s6 =	sadd.s32 s5, s17;
	s7 =	smov.u32 s5  }
0x9e: {  	[sflag:s10] =	ssyncadd.s32 $0xFFFFC000;
	p0 =	sne.s32 s5, $0x4E;
	s7 =	sadd.s32 $0x1, s5  }
0x9f: {  	[tilespmem:s16], [sflag:$0x1] =	stream.linear.gather [hbm4b:s4+s16], $0x80, $0x38;
	[tilespmem:$0x18080] =	vst v63  }
0xa0: {  	p1 =	slt.u32 s6, $0x9C4;
	s5 =	smov.u32 s2;
	_ =	swait.ge [sflag:s10], $0x80  }
0xa1: {  	s5 =	simm.s32 @!p1 $0x0;
	[sflag:s10] =	ssyncset.done $0x0  }
0xa2: {  	s5 =	sadd.s32 s18, s5;
	[sflag:s10] =	ssyncadd.s32 $0xFFFFFF80  }
0xa3: {  	[tilespmem:s31], [sflag:$0x1] =	stream.linear.gather [hbm4b:s5+s16], $0x4000, $0x38;
	[tilespmem:$0x18080] =	vst v63  }
0xa4: {  	_ =	swait.ge [sflag:s10], $0x4000  }
.Ltmp1:
0xa5: {  	[sflag:s10] =	ssyncset.done $0x0;
	(pc) =	sbr.rel @p0 .LBB2_4-.Ltmp1, $4  }
0xa6: {  	[sflag:s10] =	ssyncadd.s32 $0xFFFFC000  }
0xa7: {  	[spmem:s3] =	stream.indirect.scatter.add.f32 [tilespmem:s31], [sflag:$0x1], $0x80, s16, s31, $0xb8;
	[tilespmem:$0x18080] =	vst v63  }
0xa8: {  	s2 =	sadd.s32 $0x800, s2;
	_ =	swait.ge [sflag:s10], $0x4000  }
0xa9: {  	s4 =	sadd.s32 $0x10, s4;
	s5 =	smov.u32 s7;
	[sflag:s10] =	ssyncset.done $0x0  }
0xaa: {  	[sflag:s10] =	ssyncadd.s32 $0xFFFFC000  }
0xab: {  	[bflag:$0x0] =	sbarrier.arrive $0xFFFF  }
0xac: {  	[tilespmem:s31], [sflag:$0x1] =	stream.linear.gather [spmem:s19], $0x4000, $0x38;
	[tilespmem:$0x18080] =	vst v63  }
0xad: {  	_ =	swait.ge [sflag:s10], $0x4000  }
0xae: {  	[sflag:s10] =	ssyncset.done $0x0  }
0xaf: {  	[sflag:s10] =	ssyncadd.s32 $0xFFFFC000  }
0xb0: {  	[hbm4b:s9+s16] =	stream.linear.scatter [tilespmem:s31], [sflag:$0x1], $0x4000, $0x38;
	[tilespmem:$0x18080] =	vst v63  }
0xb1: {  	_ =	swait.ge [sflag:s10], $0x4000  }
0xb2: {  	[sflag:s10] =	ssyncset.done $0x0  }
0xb3: {  	[sflag:s10] =	ssyncadd.s32 $0xFFFFC000  }
0xb4: {  	[tilespmem:s31], [sflag:$0x1] =	stream.linear.gather [spmem:s21], $0x4000, $0x38;
	[tilespmem:$0x18080] =	vst v63  }
0xb5: {  	_ =	swait.ge [sflag:s10], $0x4000  }
0xb6: {  	[sflag:s10] =	ssyncset.done $0x0  }
0xb7: {  	[sflag:s10] =	ssyncadd.s32 $0xFFFFC000  }
0xb8: {  	[hbm4b:s11+s16] =	stream.linear.scatter [tilespmem:s31], [sflag:$0x1], $0x4000, $0x38;
	[tilespmem:$0x18080] =	vst v63  }
0xb9: {  	_ =	swait.ge [sflag:s10], $0x4000  }
0xba: {  	[sflag:s10] =	ssyncset.done $0x0  }
0xbb: {  	[sflag:s10] =	ssyncadd.s32 $0xFFFFC000  }
0xbc: {  	[tilespmem:s31], [sflag:$0x1] =	stream.linear.gather [spmem:s22], $0x4000, $0x38;
	[tilespmem:$0x18080] =	vst v63  }
0xbd: {  	_ =	swait.ge [sflag:s10], $0x4000  }
0xbe: {  	[sflag:s10] =	ssyncset.done $0x0  }
0xbf: {  	[sflag:s10] =	ssyncadd.s32 $0xFFFFC000  }
0xc0: {  	[hbm4b:s12+s16] =	stream.linear.scatter [tilespmem:s31], [sflag:$0x1], $0x4000, $0x38;
	[tilespmem:$0x18080] =	vst v63  }
0xc1: {  	_ =	swait.ge [sflag:s10], $0x4000  }
0xc2: {  	[sflag:s10] =	ssyncset.done $0x0  }
0xc3: {  	[sflag:s10] =	ssyncadd.s32 $0xFFFFC000  }
0xc4: {  	[tilespmem:s31], [sflag:$0x1] =	stream.linear.gather [spmem:s23], $0x4000, $0x38;
	[tilespmem:$0x18080] =	vst v63  }
0xc5: {  	_ =	swait.ge [sflag:s10], $0x4000  }
0xc6: {  	[sflag:s10] =	ssyncset.done $0x0  }
0xc7: {  	[sflag:s10] =	ssyncadd.s32 $0xFFFFC000  }
0xc8: {  	[hbm4b:s13+s16] =	stream.linear.scatter [tilespmem:s31], [sflag:$0x1], $0x4000, $0x38;
	[tilespmem:$0x18080] =	vst v63  }
0xc9: {  	_ =	swait.ge [sflag:s10], $0x4000  }
0xca: {  	[sflag:s10] =	ssyncset.done $0x0  }
0xcb: {  	[sflag:s10] =	ssyncadd.s32 $0xFFFFC000  }
0xcc: {  	[tilespmem:s31], [sflag:$0x1] =	stream.linear.gather [spmem:s24], $0x4000, $0x38;
	[tilespmem:$0x18080] =	vst v63  }
0xcd: {  	s0 =	sadd.s32 $0x1, s0;
	_ =	swait.ge [sflag:s10], $0x4000  }
0xce: {  	p0 =	sne.s32 s0, s20;
	[sflag:s10] =	ssyncset.done $0x0  }
.Ltmp2:
0xcf: {  	[sflag:s10] =	ssyncadd.s32 $0xFFFFC000;
	(pc) =	sbr.rel @p0 .LBB2_1-.Ltmp2, $4  }
0xd0: {  	[hbm4b:s14+s16] =	stream.linear.scatter [tilespmem:s31], [sflag:$0x1], $0x4000, $0x38;
	[tilespmem:$0x18080] =	vst v63  }
0xd1: {  	_ =	swait.ge [sflag:s10], $0x4000  }
0xd2: {  	[sflag:s10] =	ssyncset.done $0x0  }
0xd3: {  	[sflag:s10] =	ssyncadd.s32 $0xFFFFC000  }
0xd4: {  	_ =	sfence.sel $0x180000  }
0xd5: {  	[bflag:$0x0] =	sbarrier.arrive $0xFFFF  }
0xd6: {  	_ =	strace $0x90000055  }
0xd7: {  	s0 =	stileid.u32;
	[bflag:$0x2] =	sbarrier.arrive $0xFFFF  }
0xd8: {  	p0 =	sne.s32 s0, $0x0;
	s0 =	rddreg [dreg:$0x5]  }
0xd9: {  	s0 =	sadd.s32 @!p0 $0x100000, s0  }
0xda: {  	[sflag:s0] =	ssyncadd.tile.s32 @!p0 $0x1;
	_ =	shalt  }
.Lfunc_end2:
_tile_overlayer_lowered:
.L_overlay_start_2:
0xdb: {  	(tag) =	ssettag $0x2  }
0xdc: {  	s0 =	rddreg [dreg:$0x0];
	s2 =	stileid.u32  }
0xdd: {  	s1 =	rddreg [dreg:$0x1];
	p0 =	sne.s32 s2, $0x0  }
0xde: {  	s3 =	rddreg [dreg:$0x2];
	[bflag:$0x3] =	sbarrier.arrive $0xFFFF;
	s2 =	simm.s32 @!p0 $0x1C01  }
0xdf: {  	[timem:s3], [sflag:s2] =	dma.local @!p0 [hbm:s0], s1  }
0xe0: {  	s0 =	simm.s32 @!p0 $0x1  }
0xe1: {  	_ =	swait.ge @!p0 [sflag:s0], s1  }
0xe2: {  	s1 =	ssub.s32 @!p0 $0x0, s1;
	[sflag:s0] =	ssyncset.done @!p0 $0x0  }
0xe3: {  	[sflag:s0] =	ssyncadd.s32 @!p0 s1  }
0xe4: {  	[bflag:$0x3] =	sbarrier.arrive $0xFFFF  }
0xe5: {  	_ =	shalt  }

// kernel: kernel.7.cloned.1.call-start
scs
__scs_entry_jumppad:
0x0: {  	(pc) =	sbr.rel $0x88, $3  }
0x1: {  	(tag) =	ssettag $0x0;
	lr =	simm.s32 $0x1  }
0x2: {  	[smem:$0x3F92] =	sst lr;
	_ =	strace $0xD0000000  }
0x3: {  	_ = 	snop  }
0x4: {  	_ = 	snop  }
0x5: {  	_ = 	snop  }
0x6: {  	_ = 	snop  }
0x7: {  	_ = 	snop  }
__scs_overlays_trampoline_lowered:
0x8: {  	[smem:$0x3FA1] =	sst s0  }
0x9: {  	[smem:$0x3FA2] =	sst s1  }
0xa: {  	[smem:$0x3FA3] =	sst s2  }
0xb: {  	[smem:$0x3FA4] =	sst s3  }
0xc: {  	[smem:$0x3FA5] =	sst s4  }
0xd: {  	[smem:$0x3FA6] =	sst s5  }
0xe: {  	[smem:$0x3FA7] =	sst s6  }
0xf: {  	[smem:$0x3FA8] =	sst s7  }
0x10: {  	[smem:$0x3FA9] =	sst s8  }
0x11: {  	[smem:$0x3FAA] =	sst s9;
	s0 =	simm.s32 @!p0 $0x0  }
0x12: {  	s1 =	sld [smem:$0x3F90];
	s0 =	simm.s32 @p0 $0x1  }
0x13: {  	[smem:$0x3FAB] =	sst s0;
	s0 =	simm.s32 @!p1 $0x0  }
0x14: {  	s2 =	sld [smem:$0x3F8F];
	s0 =	simm.s32 @p1 $0x1  }
0x15: {  	[smem:$0x3FAC] =	sst s0;
	s0 =	simm.s32 @!p2 $0x0  }
0x16: {  	s3 =	sld [smem:$0x3FDB];
	s0 =	simm.s32 @p2 $0x1  }
0x17: {  	s4 =	simm.s32 $0x1BF5;
	[smem:$0x3FAE] =	sst s0  }
0x18: {  	s0 =	sld [smem:$0x3F91];
	_ =	swait.ge [sflag:s4], $0x0  }
0x19: {  	s7 =	sld [smem:$0x3F92]  }
0x1a: {  	s8 =	sadd.s32 $0xFFFFE003, lr  }
0x1b: {  	s9 =	sadd.s32 $0xFFFFFEF7, lr;
	s5 =	simm.s32 $0xFFFFFFFF;
	p2 =	slt.u32 s8, $0xFFFFF086  }
0x1c: {  	p1 =	slt.u32 s9, $0xF7A;
	s5 =	simm.s32 @!p2 $0x0  }
0x1d: {  	s5 =	simm.s32 @p1 $0x1;
	p0 =	seq.s32 s7, s2  }
0x1e: {  	s7 =	smul.u32 @!p0 $0xF7A, s2;
	p2 =	seq.s32 @!p0 s5, $0x0  }
0x1f: {  	s9 =	smul.u32 $0xF7A, s1;
	s8 =	simm.s32 @!p0 $0x1BF5;
	p2 =	por !p2, p0  }
0x20: {  	[sflag:s8] =	ssyncset.s32 @!p0 $0xFFFFF086;
	s6 =	sadd.s32 @!p0 s3, s7;
	s7 =	simm.s32 @!p0 $0x108  }
0x21: {  	s3 =	sadd.s32 s3, s9;
	s6 =	sadd.s32 @!p0 $0x88, s6;
	s7 =	simm.s32 @p2 $0x1082  }
0x22: {  	[simem:s7], [sflag:s8] =	dma.local @!p0 [hbm:s6], $0xF7A  }
0x23: {  	s9 =	sor.u32 $0xD0000000, s2;
	s6 =	simm.s32 $0x108;
	_ =	swait.ge @!p0 [sflag:s8], $0x0  }
0x24: {  	s3 =	sadd.s32 $0x88, s3;
	s6 =	simm.s32 @!p1 $0x1082;
	[sflag:s4] =	ssyncset.s32 $0xFFFFF086  }
0x25: {  	[simem:s6], [sflag:s4] =	dma.local [hbm:s3], $0xF7A  }
0x26: {  	[smem:$0x3F92] =	sst s1;
	(tag) =	ssettag s2;
	_ =	strace s9  }
0x27: {  	s1 =	sld [smem:$0x3FA2]  }
0x28: {  	s2 =	sld [smem:$0x3FA3]  }
0x29: {  	s4 =	sld [smem:$0x3FA5]  }
0x2a: {  	p0 =	seq.s32 s5, $0x0;
	s5 =	sld [smem:$0x3FA6]  }
0x2b: {  	s6 =	sld [smem:$0x3FA7]  }
0x2c: {  	s7 =	sld [smem:$0x3FA8]  }
0x2d: {  	s3 =	simm.s32 $0x108;
	s8 =	sld [smem:$0x3FA9]  }
0x2e: {  	s3 =	simm.s32 @!p0 $0x1082;
	s9 =	sld [smem:$0x3FAA]  }
0x2f: {  	lr =	sadd.s32 s0, s3;
	s0 =	sld [smem:$0x3FA1]  }
0x30: {  	s3 =	sld [smem:$0x3FA4]  }
0x31: {  	[smem:$0x3FAD] =	sst s10  }
0x32: {  	s10 =	sld [smem:$0x3FAB];
	_ =	sdelay $0x3  }
0x33: {  	p0 =	seq.s32 s10, $0x1;
	s10 =	sld [smem:$0x3FAD];
	_ =	sdelay $0x3  }
0x34: {  	[smem:$0x3FAD] =	sst s10  }
0x35: {  	s10 =	sld [smem:$0x3FAC];
	_ =	sdelay $0x3  }
0x36: {  	p1 =	seq.s32 s10, $0x1;
	s10 =	sld [smem:$0x3FAD];
	_ =	sdelay $0x3  }
0x37: {  	[smem:$0x3FAD] =	sst s10  }
0x38: {  	s10 =	sld [smem:$0x3FAE]  }
0x39: {  	_ = 	snop;
	(pc) =	sbr.ind lr, $3  }
0x3a: {  	_ = 	snop  }
0x3b: {  	_ = 	snop  }
0x3c: {  	p2 =	seq.s32 s10, $0x1;
	s10 =	sld [smem:$0x3FAD]  }
0x3d: {  	_ =	shalt  }
0x3e: {  	_ =	shalt  }
0x3f: {  	_ =	shalt  }
0x40: {  	_ =	shalt  }
0x41: {  	_ =	shalt  }
0x42: {  	_ =	shalt  }
0x43: {  	_ =	shalt  }
0x44: {  	_ =	shalt  }
0x45: {  	_ =	shalt  }
0x46: {  	_ =	shalt  }
0x47: {  	_ =	shalt  }
0x48: {  	_ =	shalt  }
0x49: {  	_ =	shalt  }
0x4a: {  	_ =	shalt  }
0x4b: {  	_ =	shalt  }
0x4c: {  	_ =	shalt  }
0x4d: {  	_ =	shalt  }
0x4e: {  	_ =	shalt  }
0x4f: {  	_ =	shalt  }
0x50: {  	_ =	shalt  }
0x51: {  	_ =	shalt  }
0x52: {  	_ =	shalt  }
0x53: {  	_ =	shalt  }
0x54: {  	_ =	shalt  }
0x55: {  	_ =	shalt  }
0x56: {  	_ =	shalt  }
0x57: {  	_ =	shalt  }
0x58: {  	_ =	shalt  }
0x59: {  	_ =	shalt  }
0x5a: {  	_ =	shalt  }
0x5b: {  	_ =	shalt  }
0x5c: {  	_ =	shalt  }
0x5d: {  	_ =	shalt  }
0x5e: {  	_ =	shalt  }
0x5f: {  	_ =	shalt  }
0x60: {  	_ =	shalt  }
0x61: {  	_ =	shalt  }
0x62: {  	_ =	shalt  }
0x63: {  	_ =	shalt  }
0x64: {  	_ =	shalt  }
0x65: {  	_ =	shalt  }
0x66: {  	_ =	shalt  }
0x67: {  	_ =	shalt  }
0x68: {  	_ =	shalt  }
0x69: {  	_ =	shalt  }
0x6a: {  	_ =	shalt  }
0x6b: {  	_ =	shalt  }
0x6c: {  	_ =	shalt  }
0x6d: {  	_ =	shalt  }
0x6e: {  	_ =	shalt  }
0x6f: {  	_ =	shalt  }
0x70: {  	_ =	shalt  }
0x71: {  	_ =	shalt  }
0x72: {  	_ =	shalt  }
0x73: {  	_ =	shalt  }
0x74: {  	_ =	shalt  }
0x75: {  	_ =	shalt  }
0x76: {  	_ =	shalt  }
0x77: {  	_ =	shalt  }
0x78: {  	_ =	shalt  }
0x79: {  	_ =	shalt  }
0x7a: {  	_ =	shalt  }
0x7b: {  	_ =	shalt  }
0x7c: {  	_ =	shalt  }
0x7d: {  	_ =	shalt  }
0x7e: {  	_ =	shalt  }
0x7f: {  	_ =	shalt  }
0x80: {  	_ =	shalt  }
0x81: {  	_ =	shalt  }
0x82: {  	_ =	shalt  }
0x83: {  	_ =	shalt  }
0x84: {  	_ =	shalt  }
0x85: {  	_ =	shalt  }
0x86: {  	_ =	shalt  }
0x87: {  	_ =	shalt  }
.Lfunc_end0:
.L_simem_size_0:
called_computation_lowered:
.L_overlay_start_0:
0x88: {  	s2 =	sld [smem:$0x3FD9]  }
0x89: {  	s3 =	sld [smem:$0x3FFE];
	_ =	sdelay $0x1  }
0x8a: {  	s1 =	srdreg.scid  }
0x8b: {  	s0 =	sand.u32 $0x1, s1  }
0x8c: {  	s14 =	sshll.u32 s0, $0xA;
	s2 =	sadd.s32 s3, s2  }
0x8d: {  	s2 =	sadd.s32 s2, s14  }
0x8e: {  	[smem:$0x3FB9] =	sst s2  }
0x8f: {  	_ = 	snop  }
0x90: {  	s2 =	sld [smem:$0x3FD0];
	_ =	sdelay $0x2  }
0x91: {  	s15 =	simm.s32 $0xA;
	s4 =	simm.s32 $0x10  }
0x92: {  	[smem:s4], [sflag:s15] =	dma.local [hbm:s2], $0x1  }
0x93: {  	_ =	swait.eq [sflag:s15], $0x1  }
0x94: {  	[sflag:s15] =	ssyncset.done $0x0  }
0x95: {  	s16 =	sld [smem:$0x12];
	[sflag:s15] =	ssyncadd.s32 $0xFFFFFFFF  }
0x96: {  	s17 =	sld [smem:$0x13];
	(tm) =	ssettm $0x1  }
0x97: {  	s18 =	sld [smem:$0x3FFB];
	_ =	sdelay $0x3  }
0x98: {  	_ =	strace s18  }
0x99: {  	s4 =	sld [smem:$0x3FFC];
	_ =	sdelay $0x3  }
0x9a: {  	_ =	strace s4  }
0x9b: {  	s4 =	sld [smem:$0x3FFD];
	_ =	sdelay $0x3  }
0x9c: {  	_ =	strace s4  }
0x9d: {  	_ =	strace $0x8FFFFFFF  }
0x9e: {  	s19 =	sld [smem:$0x3FDB];
	_ =	sdelay $0x1  }
0x9f: {  	s5 =	simm.s32 $_scs_section_size  }
0xa0: {  	s6 =	simm.s32 $_size__tile_overlayer_lowered;
	s7 =	simm.s32 $_tile_overlayer_lowered  }
0xa1: {  	s22 =	simm.s32 $0x1BFF;
	s21 =	sshll.u32 s7, $0x1;
	s4 =	sadd.s32 s5, s19  }
0xa2: {  	s8 =	simm.s32 $0x0;
	s20 =	sshll.u32 s6, $0x1;
	s6 =	sadd.s32 s21, s4  }
0xa3: {  	[timem:s8], [sflag:s22] =	dma.local [hbm:s6], s20  }
0xa4: {  	_ =	swait.ge [sflag:s22], s20  }
0xa5: {  	s5 =	ssub.s32 $0x0, s20;
	[sflag:s22] =	ssyncset.done $0x0  }
0xa6: {  	[sflag:s22] =	ssyncadd.s32 s5;
	_ =	sdelay $0x1  }
0xa7: {  	s23 =	simm.s32 $0x1B8B  }
0xa8: {  	_ =	swait.ge [sflag:s23], $0x1  }
0xa9: {  	[sflag:s23] =	ssyncset.done $0x0  }
0xaa: {  	s25 =	simm.s32 $0x1B8E;
	s24 =	sld [smem:$0x3FFE];
	[sflag:s23] =	ssyncadd.s32 $0xFFFFFFFF  }
0xab: {  	s26 =	simm.s32 $execute0_lowered;
	[smem:$0x3FD2] =	sst s25  }
0xac: {  	s6 =	sshll.u32 s26, $0x1;
	_ =	strace $0x80000046;
	[dreg:$0x1] =	wrdreg $0xFFFFFFFF  }
0xad: {  	s28 =	simm.s32 $_size_execute0_lowered;
	s4 =	sadd.s32 s4, s6;
	[dreg:$0x0] =	wrdreg $0x0  }
0xae: {  	s6 =	sshll.u32 s28, $0x1;
	[dreg:$0x2] =	wrdreg s4  }
0xaf: {  	[dreg:$0x3] =	wrdreg s6  }
0xb0: {  	[dreg:$0x4] =	wrdreg $0xC0  }
0xb1: {  	_ =	task [dreg:s8], $0x5FFFF  }
0xb2: {  	[dreg:$0x1] =	wrdreg $0xFFFFFFFF  }
0xb3: {  	[dreg:$0x0] =	wrdreg $0x60  }
0xb4: {  	[dreg:$0x2] =	wrdreg s16  }
0xb5: {  	[dreg:$0x3] =	wrdreg s17  }
0xb6: {  	[dreg:$0x4] =	wrdreg s24  }
0xb7: {  	[dreg:$0x5] =	wrdreg $0x9  }
0xb8: {  	_ =	task.clear_ibuf [dreg:s8], $0x6FFFF;
	_ =	strace $0x90000046  }
0xb9: {  	s29 =	simm.s32 $0x9;
	_ =	strace $0x80000053  }
0xba: {  	_ =	swait.ge [sflag:s29], $0x1  }
0xbb: {  	[sflag:s29] =	ssyncadd.s32 $0xFFFFFFFF  }
0xbc: {  	_ =	strace $0x90000053  }
0xbd: {  	_ =	sfence  }
0xbe: {  	s30 =	sld [smem:$0x0];
	_ =	sdelay $0x2  }
0xbf: {  	s31 =	sshll.u32 s1, $0xD;
	s1 =	sshrl.u32 s1, $0x2  }
0xc0: {  	s3 =	sand.u32 $0x4000, s31;
	s1 =	sadd.s32 s1, s30  }
0xc1: {  	s0 =	sor.u32 s3, s0;
	s1 =	sshll.u32 s1, $0x11  }
0xc2: {  	s0 =	sor.u32 s1, s0  }
0xc3: {  	s0 =	sadd.s32 $0x8F2B, s0  }
0xc4: {  	[sflag:s0] =	ssyncadd.remote.s32 $0x1  }
0xc5: {  	_ =	sfence.sel $0xFFFF  }
0xc6: {  	[dreg:$0x0] =	wrdreg $0xFFFFFFFF;
	(pc) =	sbr.abs _section_cstart, $3  }
0xc7: {  	[dreg:$0x1] =	wrdreg $0xFFFFFFFF  }
0xc8: {  	_ =	task.clear_ibuf [dreg:s8], $0x2FFFF;
	_ =	strace $0x9FFFFFFF  }
0xc9: {  	(tm) =	ssettm $0x7FFFFFFF  }
tec
execute0_lowered:
.L_overlay_start_1:
0x0: {  	(tag) =	ssettag $0x1  }
0x1: {  	s1 =	rddreg [dreg:$0x0]  }
0x2: {  	s2 =	rddreg [dreg:$0x1]  }
0x3: {  	s0 =	rddreg [dreg:$0x2];
	s3 =	srdreg.scid;
	s4 =	simm.s32 $0x0  }
0x4: {  	s7 =	stileid.u32;
	s14 =	simm.s32 $0x80;
	s15 =	simm.s32 $0x9  }
0x5: {  	s16 =	simm.s32 $0x0;
	s3 =	sand.u32 $0x1, s3;
	[smem:$0x7FF] =	sst s4  }
0x6: {  	s5 =	sadd.s32 $0x5200, s0;
	s8 =	sadd.s32 $0x512C00, s0;
	s6 =	sshll.u32 s3, $0x4  }
0x7: {  	_ =	strace $0x80000047;
	s3 =	ssub.s32 $0x2, s3;
	s9 =	sor.u32 s7, s6  }
0x8: {  	s6 =	sadd.s32 $0x18E00, s0;
	s31 =	sshrl.u32 s3, $0x1;
	s11 =	smul.u32 $0x4F0, s9  }
0x9: {  	s7 =	sadd.s32 $0x22C00, s0;
	s0 =	ssub.s32 s3, s31;
	s9 =	smul.u32 $0x4F, s9  }
0xa: {  	s12 =	smax.u32 s0, $0x1;
	s10 =	sadd.s32 s5, s11;
	s11 =	sadd.s32 s6, s11  }
.LBB2_1:
0xb: {  	_ =	strace $0x80000048  }
0xc: {  	s0 =	simm.s32 $0x100;
	s26 =	simm.s32 $0x1;
	s18 =	simm.s32 $0x4F  }
0xd: {  	s28 =	simm.s32 $0x0;
	s17 =	simm.s32 $0x0;
	s19 =	simm.s32 $0x0  }
0xe: {  	[tilespmem:s4], [sflag:$0x1] =	stream.linear.gather [hbm4b:s10+s4], $0x80, $0x200038;
	[tilespmem:$0x10200] =	vst v63  }
0xf: {  	s24 =	simm.s32 $0x0;
	s20 =	simm.s32 $0x0;
	s21 =	simm.s32 $0x0  }
0x10: {  	[tilespmem:s0], [sflag:$0x3] =	stream.linear.gather [hbm4b:s11+s4], $0x80, $0x200038;
	[tilespmem:$0x10200] =	vst v63  }
0x11: {  	s22 =	simm.s32 $0x1;
	s23 =	simm.s32 $0x0;
	_ =	strace $0x90000048  }
.LBB2_2:
0x12: {  	s25 =	sadd.s32 $0x1, s28  }
0x13: {  	p0 =	seq.s32 s25, $0x4F  }
0x14: {  	s25 =	simm.s32 @p0 $0x0;
	p0 =	seq.s32 s18, $0x1  }
0x15: {  	p1 =	seq.s32 @!p0 s28, s25  }
0x16: {  	p2 =	por p1, p0  }
0x17: {  	s0 =	sadd.s32 @!p2 s9, s25  }
0x18: {  	s3 =	sand.u32 @!p2 $0x1, s26;
	s0 =	sshll.u32 @!p2 s0, $0x4  }
0x19: {  	_ =	strace @!p2 $0x80000049;
	s31 =	simm.s32 @!p2 $0x0;
	s0 =	sand.u32 @!p2 $0x1FFFFFF0, s0  }
0x1a: {  	s29 =	sshll.u32 @!p2 s3, $0x7;
	s3 =	sadd.s32 @!p2 $0x1, s3;
	s30 =	sadd.s32 @!p2 s5, s0  }
0x1b: {  	[tilespmem:s29], [sflag:s3] =	stream.linear.gather @!p2 [hbm4b:s30+s31], $0x80, $0x200038;
	[tilespmem:$0x10200] =	vst v63  }
0x1c: {  	s3 =	sand.u32 @!p2 $0x1, s22  }
0x1d: {  	s0 =	sadd.s32 @!p2 s6, s0;
	_ =	strace @!p2 $0x90000049;
	s29 =	sshll.u32 @!p2 s3, $0x7  }
0x1e: {  	s3 =	sadd.s32 @!p2 $0x3, s3;
	_ =	strace @!p2 $0x8000004A;
	s29 =	sor.u32 @!p2 $0x100, s29  }
0x1f: {  	[tilespmem:s29], [sflag:s3] =	stream.linear.gather @!p2 [hbm4b:s0+s31], $0x80, $0x200038;
	[tilespmem:$0x10200] =	vst v63  }
0x20: {  	s3 =	sand.u32 $0x1, s23;
	_ =	strace @!p2 $0x9000004A  }
0x21: {  	s0 =	sadd.s32 $0x1, s3;
	_ =	strace $0x8000004B  }
0x22: {  	_ =	swait.ge [sflag:s0], $0x80  }
0x23: {  	[sflag:s0] =	ssyncset.done $0x0  }
0x24: {  	[sflag:s0] =	ssyncadd.s32 $0xFFFFFF80  }
0x25: {  	s13 =	sand.u32 $0x1, s21;
	_ =	strace $0x9000004B  }
0x26: {  	s0 =	sadd.s32 $0x3, s13;
	_ =	strace $0x8000004C  }
0x27: {  	_ =	swait.ge [sflag:s0], $0x80  }
0x28: {  	[sflag:s0] =	ssyncset.done $0x0  }
0x29: {  	s30 =	sand.u32 $0x1, s20;
	[sflag:s0] =	ssyncadd.s32 $0xFFFFFF80  }
0x2a: {  	s29 =	sshll.u32 s30, $0xE;
	s31 =	sshll.u32 s23, $0x7;
	_ =	strace $0x9000004C  }
0x2b: {  	s3 =	sand.u32 $0x80, s31;
	s0 =	sor.u32 $0x200, s29;
	_ =	strace $0x8000004D  }
0x2c: {  	[tilespmem:s0], [sflag:$0x9] =	stream.indirect.gather [hbm4b:s1+s14], $0x80, s3, s14, $0x2000b8;
	[tilespmem:$0x10200] =	vst v63  }
0x2d: {  	s31 =	sand.u32 $0x1, s19;
	s13 =	sshll.u32 s21, $0x7;
	_ =	swait.ge [sflag:s15], $0x4000  }
0x2e: {  	s13 =	sand.u32 $0x80, s13;
	s29 =	sshll.u32 s31, $0xE;
	[sflag:s15] =	ssyncset.done $0x0  }
0x2f: {  	s13 =	sor.u32 $0x100, s13;
	s3 =	sor.u32 $0x8200, s29;
	[sflag:s15] =	ssyncadd.s32 $0xFFFFC000  }
0x30: {  	[tilespmem:s3], [sflag:$0x9] =	stream.indirect.gather [hbm4b:s2+s14], $0x80, s13, s14, $0x2000b8;
	[tilespmem:$0x10200] =	vst v63  }
0x31: {  	p3 =	por p0, !p1;
	_ =	swait.ge [sflag:s15], $0x4000  }
0x32: {  	s13 =	sadd.s32 @p3 s9, s28;
	[sflag:s15] =	ssyncset.done $0x0  }
0x33: {  	s13 =	sshll.u32 @p3 s13, $0xB;
	[sflag:s15] =	ssyncadd.s32 $0xFFFFC000  }
0x34: {  	s29 =	simm.s32 $0x0;
	s13 =	sand.u32 @p3 $0x1FFFF800, s13;
	_ =	strace $0x9000004D  }
0x35: {  	s28 =	sadd.s32 @p3 $0x5, s30;
	s29 =	sadd.s32 @p3 s7, s13;
	_ =	strace @p3 $0x8000004E  }
0x36: {  	[hbm4b:s29+s4] =	stream.linear.scatter @p3 [tilespmem:s0], [sflag:s28], $0x4000, $0x200038;
	[tilespmem:$0x10200] =	vst v63  }
0x37: {  	p1 =	por !p1, p0;
	s20 =	sadd.s32 @p3 $0x1, s20;
	_ =	strace @p3 $0x9000004E  }
0x38: {  	s13 =	sadd.s32 @p3 s8, s13;
	s0 =	sadd.s32 @p3 $0x7, s31;
	_ =	strace @p3 $0x8000004F  }
0x39: {  	[hbm4b:s13+s4] =	stream.linear.scatter @p3 [tilespmem:s3], [sflag:s0], $0x4000, $0x200038;
	[tilespmem:$0x10200] =	vst v63  }
0x3a: {  	s29 =	simm.s32 @p3 $0x1;
	_ =	strace @p3 $0x9000004F;
	p3 =	seq.s32 s18, $0x4F  }
0x3b: {  	s30 =	smov.u32 s26;
	s28 =	smov.u32 s25;
	s0 =	sand.u32 @!p3 $0x1, s24  }
0x3c: {  	s19 =	sadd.s32 s19, s29;
	_ =	strace @!p3 $0x80000050;
	s0 =	sadd.s32 @!p3 $0x5, s0  }
0x3d: {  	s23 =	sadd.s32 s23, s29;
	s3 =	sadd.s32 @!p2 $0x1, s26;
	_ =	swait.ge @!p3 [sflag:s0], $0x4000  }
0x3e: {  	s30 =	smov.u32 @p1 s3;
	s18 =	sadd.s32 $0xFFFFFFFF, s18;
	[sflag:s0] =	ssyncset.done @!p3 $0x0  }
0x3f: {  	s13 =	sand.u32 @!p3 $0x1, s17;
	[sflag:s0] =	ssyncadd.s32 @!p3 $0xFFFFC000;
	s0 =	simm.s32 $0x0  }
0x40: {  	s30 =	smov.u32 @p0 s26;
	s3 =	simm.s32 @!p3 $0x1;
	s0 =	simm.s32 @p1 $0x1  }
0x41: {  	_ =	strace @!p3 $0x90000050;
	s0 =	simm.s32 @p0 $0x0;
	p0 =	sne.s32 s18, $0x0  }
.Ltmp0:
0x42: {  	s13 =	sadd.s32 @!p3 $0x7, s13;
	_ =	strace @!p3 $0x80000051;
	(pc) =	sbr.rel @p0 .LBB2_2-.Ltmp0, $4  }
0x43: {  	s21 =	sadd.s32 s21, s29;
	s3 =	simm.s32 @p3 $0x0;
	_ =	swait.ge @!p3 [sflag:s13], $0x4000  }
0x44: {  	s22 =	sadd.s32 s22, s0;
	s0 =	sadd.s32 @!p3 $0x1, s24;
	[sflag:s13] =	ssyncset.done @!p3 $0x0  }
0x45: {  	s26 =	smov.u32 s30;
	s0 =	smov.u32 @p3 s24;
	[sflag:s13] =	ssyncadd.s32 @!p3 $0xFFFFC000  }
0x46: {  	s17 =	sadd.s32 s17, s3;
	s24 =	smov.u32 s0;
	_ =	strace @!p3 $0x90000051  }
0x47: {  	s0 =	sand.u32 $0x1, s0  }
0x48: {  	_ =	strace $0x80000052;
	s0 =	sadd.s32 $0x5, s0  }
0x49: {  	s16 =	sadd.s32 $0x1, s16;
	_ =	swait.ge [sflag:s0], $0x4000  }
0x4a: {  	s3 =	sand.u32 $0x1, s17;
	p0 =	sne.s32 s16, s12;
	[sflag:s0] =	ssyncset.done $0x0  }
.Ltmp1:
0x4b: {  	s31 =	sadd.s32 $0x7, s3;
	[sflag:s0] =	ssyncadd.s32 $0xFFFFC000;
	(pc) =	sbr.rel @p0 .LBB2_1-.Ltmp1, $4  }
0x4c: {  	_ =	swait.ge [sflag:s31], $0x4000  }
0x4d: {  	[sflag:s31] =	ssyncset.done $0x0  }
0x4e: {  	[sflag:s31] =	ssyncadd.s32 $0xFFFFC000  }
0x4f: {  	_ =	strace $0x90000052  }
0x50: {  	_ =	sfence.sel $0x180000  }
0x51: {  	[bflag:$0x0] =	sbarrier.arrive $0xFFFF  }
0x52: {  	_ =	strace $0x90000047  }
0x53: {  	s0 =	stileid.u32;
	[bflag:$0x2] =	sbarrier.arrive $0xFFFF  }
0x54: {  	p0 =	sne.s32 s0, $0x0;
	s0 =	rddreg [dreg:$0x3]  }
0x55: {  	s0 =	sadd.s32 @!p0 $0x100000, s0  }
0x56: {  	[sflag:s0] =	ssyncadd.tile.s32 @!p0 $0x1;
	_ =	shalt  }
.Lfunc_end2:
_tile_overlayer_lowered:
.L_overlay_start_2:
0x57: {  	(tag) =	ssettag $0x2  }
0x58: {  	s0 =	rddreg [dreg:$0x0];
	s2 =	stileid.u32  }
0x59: {  	s1 =	rddreg [dreg:$0x1];
	p0 =	sne.s32 s2, $0x0  }
0x5a: {  	s3 =	rddreg [dreg:$0x2];
	[bflag:$0x3] =	sbarrier.arrive $0xFFFF;
	s2 =	simm.s32 @!p0 $0x1C01  }
0x5b: {  	[timem:s3], [sflag:s2] =	dma.local @!p0 [hbm:s0], s1  }
0x5c: {  	s0 =	simm.s32 @!p0 $0x1  }
0x5d: {  	_ =	swait.ge @!p0 [sflag:s0], s1  }
0x5e: {  	s1 =	ssub.s32 @!p0 $0x0, s1;
	[sflag:s0] =	ssyncset.done @!p0 $0x0  }
0x5f: {  	[sflag:s0] =	ssyncadd.s32 @!p0 s1  }
0x60: {  	[bflag:$0x3] =	sbarrier.arrive $0xFFFF  }
0x61: {  	_ =	shalt  }

</sc_bundles>
